<compile_context>
chip_gen: v7x
topology: tpu7x:2x2x1
jax: 0.10.2.dev20260603
libtpu: 0.0.44.dev20260713+nightly
codegen_flags: <defaults>
</compile_context>

<pallas_src>
import functools

import jax
import jax.numpy as jnp
from jax import lax
from jax.experimental import pallas as pl
from jax.experimental.pallas import tpu as pltpu
from jax.experimental.pallas import tpu_sc as plsc

K = 16
MARGIN = 2.0
EPS = 1e-12
BIG = 3.0e38
NW = 32
NCAND = 256


def _prep_kernel(y_ref, tnt_ref):
    w = y_ref[...]
    ss = jnp.sum(w * w, axis=1, keepdims=True)
    tnt_ref[...] = (w * (1.0 / jnp.maximum(jnp.sqrt(ss), EPS))).astype(jnp.bfloat16).T


def _main_kernel(p_ref, tnt_ref, cand_ref, vbuf_ref, *, blk, n):
    i = pl.program_id(0)
    pf = p_ref[...]
    ss = jnp.sum(pf * pf, axis=1, keepdims=True)
    p = (pf * (1.0 / jnp.maximum(jnp.sqrt(ss), EPS))).astype(jnp.bfloat16)
    t = tnt_ref[...]
    vbuf_ref[...] = jax.lax.dot_general(
        p, t, (((1,), (0,)), ((), ())), preferred_element_type=jnp.float32)
    sub = vbuf_ref[:, pl.ds(i * blk, blk)]
    eye = (jax.lax.broadcasted_iota(jnp.int32, (blk, blk), 0)
           == jax.lax.broadcasted_iota(jnp.int32, (blk, blk), 1))
    vdiag = jnp.sum(jnp.where(eye, sub, 0.0), axis=1, keepdims=True)
    vbuf_ref[:, pl.ds(i * blk, blk)] = jnp.where(eye, -BIG, sub)

    b1 = jnp.full((blk, 128), -BIG, jnp.float32)
    b2 = b1
    for g in range(n // 128):
        x = vbuf_ref[:, g * 128:(g + 1) * 128]
        m = jnp.maximum(b1, x); x = jnp.minimum(b1, x); b1 = m
        b2 = jnp.maximum(b2, x)
    cand_ref[...] = vdiag - jnp.concatenate([b1, b2], axis=1)


def _sc_topk_kernel(cand_hbm, out_hbm, buf, accbuf, *, rows_per):
    wid = lax.axis_index("s") * 2 + lax.axis_index("c")
    base = wid * rows_per
    pltpu.sync_copy(cand_hbm.at[pl.ds(base, rows_per)], buf)

    def row_body(r, acc):
        run = jnp.full((16,), BIG, jnp.float32)
        for c in range(NCAND // 16):
            x = buf[r, pl.ds(c * 16, 16)]
            xs, _ = plsc.sort_key_val(x, x, descending=True)
            run, _ = plsc.sort_key_val(jnp.minimum(run, xs), run)
        return acc + run

    acc = lax.fori_loop(0, rows_per, row_body, jnp.zeros((16,), jnp.float32))
    accbuf[...] = acc
    pltpu.sync_copy(accbuf, out_hbm.at[wid])


def kernel(input, target):
    n, dim = input.shape
    blk = 512
    grid = n // blk

    tnt = pl.pallas_call(
        _prep_kernel,
        grid=(grid,),
        in_specs=[pl.BlockSpec((blk, dim), lambda i: (i, 0))],
        out_specs=pl.BlockSpec((dim, blk), lambda i: (0, i)),
        out_shape=jax.ShapeDtypeStruct((dim, n), jnp.bfloat16),
    )(target)

    cand = pl.pallas_call(
        functools.partial(_main_kernel, blk=blk, n=n),
        grid=(grid,),
        in_specs=[
            pl.BlockSpec((blk, dim), lambda i: (i, 0)),
            pl.BlockSpec((dim, n), lambda i: (0, 0)),
        ],
        out_specs=pl.BlockSpec((blk, NCAND), lambda i: (i, 0)),
        out_shape=jax.ShapeDtypeStruct((n, NCAND), jnp.float32),
        scratch_shapes=[pltpu.VMEM((blk, n), jnp.float32)],
    )(input, tnt)

    rows_per = n // NW
    mesh = plsc.VectorSubcoreMesh(core_axis_name="c", subcore_axis_name="s")
    sc_call = functools.partial(
        pl.kernel,
        mesh=mesh,
        compiler_params=pltpu.CompilerParams(needs_layout_passes=False),
        out_type=jax.ShapeDtypeStruct((NW, 16), jnp.float32),
        scratch_types=[
            pltpu.VMEM((rows_per, NCAND), jnp.float32),
            pltpu.VMEM((16,), jnp.float32),
        ],
    )(functools.partial(_sc_topk_kernel, rows_per=rows_per))
    partials = sc_call(cand)

    return MARGIN - jnp.sum(partials) / (n * K)

# --- scband reference (transcript-rebuilt; emitter-appended) ---
"""Pipeline reference for scband-smooth-triplet-head-30185030156998 (READ-ONLY COPY).

The authoritative reference and input builder live on the scoring server;
editing this copy changes nothing except your own understanding.
"""

import jax, jax.numpy as jnp
import numpy as np

K = 16
GAMMA = 1.0
MARGIN = 2.0
EPS = 1e-12

def setup_inputs(seed: int = 0):
    key = jax.random.key(seed)
    k1, k2 = jax.random.split(key)
    inp = jax.random.normal(k1, (4096, 2048), dtype=jnp.float32)
    tgt = jax.random.normal(k2, (4096, 2048), dtype=jnp.float32)
    return {"input": inp, "target": tgt}

def _normalize(x):
    # torch F.normalize: x / max(||x||, eps)
    n = jnp.linalg.norm(x, axis=1, keepdims=True)
    return x / jnp.maximum(n, EPS)

def reference(input, target):
    pred_norm = _normalize(input)
    target_norm = _normalize(target)
    n = input.shape[0]
    dist = -1.0 * (pred_norm @ target_norm.T)  # [N, N]
    # mask[i] is True only on the diagonal, so dist[i][mask[i]].max() == dist[i, i]
    diag = jnp.diagonal(dist)  # [N]
    dist_ap = jnp.repeat(diag, K)  # each anchor distance repeated k times
    # smallest-k over the off-diagonal entries of each row:
    # exclude the diagonal by replacing it with a huge finite value, then
    # top_k on the negated matrix gives the k smallest in ascending order
    big = jnp.asarray(jnp.finfo(dist.dtype).max, dist.dtype)
    masked = jnp.where(jnp.eye(n, dtype=bool), big, dist)
    neg_topk, _ = jax.lax.top_k(-masked, K)  # [N, K]
    dist_an = (-neg_topk).reshape(-1)  # [N*K], ascending per row (matches largest=False)
    y = jnp.ones_like(dist_an)
    # MarginRankingLoss(margin=2.0), reduction='mean':
    # mean(max(0, -y * (x1 - x2) + margin)) with x1=dist_an, x2=gamma*dist_ap
    loss = jnp.mean(jnp.maximum(0.0, -y * (dist_an - GAMMA * dist_ap) + MARGIN))
    return loss

if __name__ == "__main__":
    import jax
    _d = setup_inputs()
    print(jax.jit(kernel)(*tuple(_d.values())))

</pallas_src>

<mosaic_0001>
#map = affine_map<(d0, d1) -> (0, 0)>
module attributes {stable_mosaic.version = 14 : i64} {
  func.func @_sc_topk_kernel(%arg0: i32, %arg1: i32, %arg2: memref<4096x256xf32, #tpu.memory_space<hbm>>, %arg3: memref<32x16xf32, #tpu.memory_space<hbm>>, %arg4: memref<128x256xf32, #tpu.memory_space<vmem>>, %arg5: memref<16xf32, #tpu.memory_space<vmem>>) attributes {dimension_semantics = [#tpu.dimension_semantics<core_parallel>, #tpu.dimension_semantics<subcore_parallel>], iteration_bounds = array<i64: 2, 16>, scalar_prefetch = 0 : i64, scratch_operands = 2 : i64, tpu.core_type = #tpu.core_type<sc_vector_subcore>, window_params = [{transform_indices = #map}, {transform_indices = #map}]} {
    %mul3A = arith.constant 2 : i32
    %mul3A_0 = arith.muli %arg1, %mul3A : i32
    %add3A = arith.addi %mul3A_0, %arg0 : i32
    %mul3A_1 = arith.constant 128 : i32
    %mul3A_2 = arith.muli %add3A, %mul3A_1 : i32
    "tpu.region"() ({
      %run_scoped3A = tpu.sem_alloc : memref<!tpu.dma_semaphore, #tpu.memory_space<semaphore_mem>>
      %dma_start3A = arith.constant 0 : i32
      %dma_start3A_10 = tpu.memref_slice %arg2[%mul3A_2, %dma_start3A] : memref<4096x256xf32, #tpu.memory_space<hbm>> -> memref<128x256xf32, #tpu.memory_space<hbm>>
      %dma_start3A_11 = arith.constant 0 : i32
      %dma_start3A_12 = tpu.memref_slice %arg2[%mul3A_2, %dma_start3A_11] : memref<4096x256xf32, #tpu.memory_space<hbm>> -> memref<128x256xf32, #tpu.memory_space<hbm>>
      tpu.enqueue_dma source(%dma_start3A_12 : memref<128x256xf32, #tpu.memory_space<hbm>>) target(%arg4 : memref<128x256xf32, #tpu.memory_space<vmem>>) target_semaphore(%run_scoped3A : memref<!tpu.dma_semaphore, #tpu.memory_space<semaphore_mem>>)
      %dma_wait3A = arith.constant 0 : i32
      %dma_wait3A_13 = tpu.memref_slice %arg2[%mul3A_2, %dma_wait3A] : memref<4096x256xf32, #tpu.memory_space<hbm>> -> memref<128x256xf32, #tpu.memory_space<hbm>>
      %dma_wait3A_14 = arith.constant 0 : i32
      %dma_wait3A_15 = tpu.memref_slice %arg2[%mul3A_2, %dma_wait3A_14] : memref<4096x256xf32, #tpu.memory_space<hbm>> -> memref<128x256xf32, #tpu.memory_space<hbm>>
      tpu.wait_dma2 semaphore(%run_scoped3A : memref<!tpu.dma_semaphore, #tpu.memory_space<semaphore_mem>>) src(%dma_wait3A_15 : memref<128x256xf32, #tpu.memory_space<hbm>>) dst(%arg4 : memref<128x256xf32, #tpu.memory_space<vmem>>)
      tpu.yield
    }) : () -> ()
    %broadcast_in_dim3A = arith.constant 0.000000e+00 : f32
    %broadcast_in_dim3A_3 = vector.broadcast %broadcast_in_dim3A : f32 to vector<16xf32>
    %scan3A = arith.constant 0 : i32
    %scan3A_4 = arith.constant 128 : i32
    %scan3A_5 = arith.addi %scan3A, %scan3A_4 : i32
    %scan3A_6 = arith.constant 1 : i32
    %scan3A_7 = scf.for %scan3A_10 = %scan3A to %scan3A_5 step %scan3A_6 iter_args(%scan3A_11 = %broadcast_in_dim3A_3) -> (vector<16xf32>)  : i32 {
      %broadcast_in_dim3A_12 = arith.constant 3.000000e+38 : f32
      %broadcast_in_dim3A_13 = vector.broadcast %broadcast_in_dim3A_12 : f32 to vector<16xf32>
      %get3A = arith.index_cast %scan3A_10 : i32 to index
      %get3A_14 = arith.constant 0 : index
      %get3A_15 = tpu.vector_load %arg4[%get3A, %get3A_14] {strides = array<i32>} : memref<128x256xf32, #tpu.memory_space<vmem>>, vector<16xf32>,
      %masked_sort3A = arith.constant dense<true> : vector<16xi1>
      %masked_sort3A_16, %masked_sort3A_17, %masked_sort3A_18 = tpu.sort %get3A_15, %get3A_15 masked %masked_sort3A {descending = true} : (vector<16xf32>, vector<16xf32>, vector<16xi1>) -> (vector<16xi1>, vector<16xf32>, vector<16xf32>)
      %min3A = arith.minimumf %broadcast_in_dim3A_13, %masked_sort3A_17 : vector<16xf32>
      %masked_sort3A_19 = arith.constant dense<true> : vector<16xi1>
      %masked_sort3A_20, %masked_sort3A_21, %masked_sort3A_22 = tpu.sort %min3A, %broadcast_in_dim3A_13 masked %masked_sort3A_19 : (vector<16xf32>, vector<16xf32>, vector<16xi1>) -> (vector<16xi1>, vector<16xf32>, vector<16xf32>)
      %get3A_23 = arith.index_cast %scan3A_10 : i32 to index
      %get3A_24 = arith.constant 16 : index
      %get3A_25 = tpu.vector_load %arg4[%get3A_23, %get3A_24] {strides = array<i32>} : memref<128x256xf32, #tpu.memory_space<vmem>>, vector<16xf32>,
      %masked_sort3A_26 = arith.constant dense<true> : vector<16xi1>
      %masked_sort3A_27, %masked_sort3A_28, %masked_sort3A_29 = tpu.sort %get3A_25, %get3A_25 masked %masked_sort3A_26 {descending = true} : (vector<16xf32>, vector<16xf32>, vector<16xi1>) -> (vector<16xi1>, vector<16xf32>, vector<16xf32>)
      %min3A_30 = arith.minimumf %masked_sort3A_21, %masked_sort3A_28 : vector<16xf32>
      %masked_sort3A_31 = arith.constant dense<true> : vector<16xi1>
      %masked_sort3A_32, %masked_sort3A_33, %masked_sort3A_34 = tpu.sort %min3A_30, %masked_sort3A_21 masked %masked_sort3A_31 : (vector<16xf32>, vector<16xf32>, vector<16xi1>) -> (vector<16xi1>, vector<16xf32>, vector<16xf32>)
      %get3A_35 = arith.index_cast %scan3A_10 : i32 to index
      %get3A_36 = arith.constant 32 : index
      %get3A_37 = tpu.vector_load %arg4[%get3A_35, %get3A_36] {strides = array<i32>} : memref<128x256xf32, #tpu.memory_space<vmem>>, vector<16xf32>,
      %masked_sort3A_38 = arith.constant dense<true> : vector<16xi1>
      %masked_sort3A_39, %masked_sort3A_40, %masked_sort3A_41 = tpu.sort %get3A_37, %get3A_37 masked %masked_sort3A_38 {descending = true} : (vector<16xf32>, vector<16xf32>, vector<16xi1>) -> (vector<16xi1>, vector<16xf32>, vector<16xf32>)
      %min3A_42 = arith.minimumf %masked_sort3A_33, %masked_sort3A_40 : vector<16xf32>
      %masked_sort3A_43 = arith.constant dense<true> : vector<16xi1>
      %masked_sort3A_44, %masked_sort3A_45, %masked_sort3A_46 = tpu.sort %min3A_42, %masked_sort3A_33 masked %masked_sort3A_43 : (vector<16xf32>, vector<16xf32>, vector<16xi1>) -> (vector<16xi1>, vector<16xf32>, vector<16xf32>)
      %get3A_47 = arith.index_cast %scan3A_10 : i32 to index
      %get3A_48 = arith.constant 48 : index
      %get3A_49 = tpu.vector_load %arg4[%get3A_47, %get3A_48] {strides = array<i32>} : memref<128x256xf32, #tpu.memory_space<vmem>>, vector<16xf32>,
      %masked_sort3A_50 = arith.constant dense<true> : vector<16xi1>
      %masked_sort3A_51, %masked_sort3A_52, %masked_sort3A_53 = tpu.sort %get3A_49, %get3A_49 masked %masked_sort3A_50 {descending = true} : (vector<16xf32>, vector<16xf32>, vector<16xi1>) -> (vector<16xi1>, vector<16xf32>, vector<16xf32>)
      %min3A_54 = arith.minimumf %masked_sort3A_45, %masked_sort3A_52 : vector<16xf32>
      %masked_sort3A_55 = arith.constant dense<true> : vector<16xi1>
      %masked_sort3A_56, %masked_sort3A_57, %masked_sort3A_58 = tpu.sort %min3A_54, %masked_sort3A_45 masked %masked_sort3A_55 : (vector<16xf32>, vector<16xf32>, vector<16xi1>) -> (vector<16xi1>, vector<16xf32>, vector<16xf32>)
      %get3A_59 = arith.index_cast %scan3A_10 : i32 to index
      %get3A_60 = arith.constant 64 : index
      %get3A_61 = tpu.vector_load %arg4[%get3A_59, %get3A_60] {strides = array<i32>} : memref<128x256xf32, #tpu.memory_space<vmem>>, vector<16xf32>,
      %masked_sort3A_62 = arith.constant dense<true> : vector<16xi1>
      %masked_sort3A_63, %masked_sort3A_64, %masked_sort3A_65 = tpu.sort %get3A_61, %get3A_61 masked %masked_sort3A_62 {descending = true} : (vector<16xf32>, vector<16xf32>, vector<16xi1>) -> (vector<16xi1>, vector<16xf32>, vector<16xf32>)
      %min3A_66 = arith.minimumf %masked_sort3A_57, %masked_sort3A_64 : vector<16xf32>
      %masked_sort3A_67 = arith.constant dense<true> : vector<16xi1>
      %masked_sort3A_68, %masked_sort3A_69, %masked_sort3A_70 = tpu.sort %min3A_66, %masked_sort3A_57 masked %masked_sort3A_67 : (vector<16xf32>, vector<16xf32>, vector<16xi1>) -> (vector<16xi1>, vector<16xf32>, vector<16xf32>)
      %get3A_71 = arith.index_cast %scan3A_10 : i32 to index
      %get3A_72 = arith.constant 80 : index
      %get3A_73 = tpu.vector_load %arg4[%get3A_71, %get3A_72] {strides = array<i32>} : memref<128x256xf32, #tpu.memory_space<vmem>>, vector<16xf32>,
      %masked_sort3A_74 = arith.constant dense<true> : vector<16xi1>
      %masked_sort3A_75, %masked_sort3A_76, %masked_sort3A_77 = tpu.sort %get3A_73, %get3A_73 masked %masked_sort3A_74 {descending = true} : (vector<16xf32>, vector<16xf32>, vector<16xi1>) -> (vector<16xi1>, vector<16xf32>, vector<16xf32>)
      %min3A_78 = arith.minimumf %masked_sort3A_69, %masked_sort3A_76 : vector<16xf32>
      %masked_sort3A_79 = arith.constant dense<true> : vector<16xi1>
      %masked_sort3A_80, %masked_sort3A_81, %masked_sort3A_82 = tpu.sort %min3A_78, %masked_sort3A_69 masked %masked_sort3A_79 : (vector<16xf32>, vector<16xf32>, vector<16xi1>) -> (vector<16xi1>, vector<16xf32>, vector<16xf32>)
      %get3A_83 = arith.index_cast %scan3A_10 : i32 to index
      %get3A_84 = arith.constant 96 : index
      %get3A_85 = tpu.vector_load %arg4[%get3A_83, %get3A_84] {strides = array<i32>} : memref<128x256xf32, #tpu.memory_space<vmem>>, vector<16xf32>,
      %masked_sort3A_86 = arith.constant dense<true> : vector<16xi1>
      %masked_sort3A_87, %masked_sort3A_88, %masked_sort3A_89 = tpu.sort %get3A_85, %get3A_85 masked %masked_sort3A_86 {descending = true} : (vector<16xf32>, vector<16xf32>, vector<16xi1>) -> (vector<16xi1>, vector<16xf32>, vector<16xf32>)
      %min3A_90 = arith.minimumf %masked_sort3A_81, %masked_sort3A_88 : vector<16xf32>
      %masked_sort3A_91 = arith.constant dense<true> : vector<16xi1>
      %masked_sort3A_92, %masked_sort3A_93, %masked_sort3A_94 = tpu.sort %min3A_90, %masked_sort3A_81 masked %masked_sort3A_91 : (vector<16xf32>, vector<16xf32>, vector<16xi1>) -> (vector<16xi1>, vector<16xf32>, vector<16xf32>)
      %get3A_95 = arith.index_cast %scan3A_10 : i32 to index
      %get3A_96 = arith.constant 112 : index
      %get3A_97 = tpu.vector_load %arg4[%get3A_95, %get3A_96] {strides = array<i32>} : memref<128x256xf32, #tpu.memory_space<vmem>>, vector<16xf32>,
      %masked_sort3A_98 = arith.constant dense<true> : vector<16xi1>
      %masked_sort3A_99, %masked_sort3A_100, %masked_sort3A_101 = tpu.sort %get3A_97, %get3A_97 masked %masked_sort3A_98 {descending = true} : (vector<16xf32>, vector<16xf32>, vector<16xi1>) -> (vector<16xi1>, vector<16xf32>, vector<16xf32>)
      %min3A_102 = arith.minimumf %masked_sort3A_93, %masked_sort3A_100 : vector<16xf32>
      %masked_sort3A_103 = arith.constant dense<true> : vector<16xi1>
      %masked_sort3A_104, %masked_sort3A_105, %masked_sort3A_106 = tpu.sort %min3A_102, %masked_sort3A_93 masked %masked_sort3A_103 : (vector<16xf32>, vector<16xf32>, vector<16xi1>) -> (vector<16xi1>, vector<16xf32>, vector<16xf32>)
      %get3A_107 = arith.index_cast %scan3A_10 : i32 to index
      %get3A_108 = arith.constant 128 : index
      %get3A_109 = tpu.vector_load %arg4[%get3A_107, %get3A_108] {strides = array<i32>} : memref<128x256xf32, #tpu.memory_space<vmem>>, vector<16xf32>,
      %masked_sort3A_110 = arith.constant dense<true> : vector<16xi1>
      %masked_sort3A_111, %masked_sort3A_112, %masked_sort3A_113 = tpu.sort %get3A_109, %get3A_109 masked %masked_sort3A_110 {descending = true} : (vector<16xf32>, vector<16xf32>, vector<16xi1>) -> (vector<16xi1>, vector<16xf32>, vector<16xf32>)
      %min3A_114 = arith.minimumf %masked_sort3A_105, %masked_sort3A_112 : vector<16xf32>
      %masked_sort3A_115 = arith.constant dense<true> : vector<16xi1>
      %masked_sort3A_116, %masked_sort3A_117, %masked_sort3A_118 = tpu.sort %min3A_114, %masked_sort3A_105 masked %masked_sort3A_115 : (vector<16xf32>, vector<16xf32>, vector<16xi1>) -> (vector<16xi1>, vector<16xf32>, vector<16xf32>)
      %get3A_119 = arith.index_cast %scan3A_10 : i32 to index
      %get3A_120 = arith.constant 144 : index
      %get3A_121 = tpu.vector_load %arg4[%get3A_119, %get3A_120] {strides = array<i32>} : memref<128x256xf32, #tpu.memory_space<vmem>>, vector<16xf32>,
      %masked_sort3A_122 = arith.constant dense<true> : vector<16xi1>
      %masked_sort3A_123, %masked_sort3A_124, %masked_sort3A_125 = tpu.sort %get3A_121, %get3A_121 masked %masked_sort3A_122 {descending = true} : (vector<16xf32>, vector<16xf32>, vector<16xi1>) -> (vector<16xi1>, vector<16xf32>, vector<16xf32>)
      %min3A_126 = arith.minimumf %masked_sort3A_117, %masked_sort3A_124 : vector<16xf32>
      %masked_sort3A_127 = arith.constant dense<true> : vector<16xi1>
      %masked_sort3A_128, %masked_sort3A_129, %masked_sort3A_130 = tpu.sort %min3A_126, %masked_sort3A_117 masked %masked_sort3A_127 : (vector<16xf32>, vector<16xf32>, vector<16xi1>) -> (vector<16xi1>, vector<16xf32>, vector<16xf32>)
      %get3A_131 = arith.index_cast %scan3A_10 : i32 to index
      %get3A_132 = arith.constant 160 : index
      %get3A_133 = tpu.vector_load %arg4[%get3A_131, %get3A_132] {strides = array<i32>} : memref<128x256xf32, #tpu.memory_space<vmem>>, vector<16xf32>,
      %masked_sort3A_134 = arith.constant dense<true> : vector<16xi1>
      %masked_sort3A_135, %masked_sort3A_136, %masked_sort3A_137 = tpu.sort %get3A_133, %get3A_133 masked %masked_sort3A_134 {descending = true} : (vector<16xf32>, vector<16xf32>, vector<16xi1>) -> (vector<16xi1>, vector<16xf32>, vector<16xf32>)
      %min3A_138 = arith.minimumf %masked_sort3A_129, %masked_sort3A_136 : vector<16xf32>
      %masked_sort3A_139 = arith.constant dense<true> : vector<16xi1>
      %masked_sort3A_140, %masked_sort3A_141, %masked_sort3A_142 = tpu.sort %min3A_138, %masked_sort3A_129 masked %masked_sort3A_139 : (vector<16xf32>, vector<16xf32>, vector<16xi1>) -> (vector<16xi1>, vector<16xf32>, vector<16xf32>)
      %get3A_143 = arith.index_cast %scan3A_10 : i32 to index
      %get3A_144 = arith.constant 176 : index
      %get3A_145 = tpu.vector_load %arg4[%get3A_143, %get3A_144] {strides = array<i32>} : memref<128x256xf32, #tpu.memory_space<vmem>>, vector<16xf32>,
      %masked_sort3A_146 = arith.constant dense<true> : vector<16xi1>
      %masked_sort3A_147, %masked_sort3A_148, %masked_sort3A_149 = tpu.sort %get3A_145, %get3A_145 masked %masked_sort3A_146 {descending = true} : (vector<16xf32>, vector<16xf32>, vector<16xi1>) -> (vector<16xi1>, vector<16xf32>, vector<16xf32>)
      %min3A_150 = arith.minimumf %masked_sort3A_141, %masked_sort3A_148 : vector<16xf32>
      %masked_sort3A_151 = arith.constant dense<true> : vector<16xi1>
      %masked_sort3A_152, %masked_sort3A_153, %masked_sort3A_154 = tpu.sort %min3A_150, %masked_sort3A_141 masked %masked_sort3A_151 : (vector<16xf32>, vector<16xf32>, vector<16xi1>) -> (vector<16xi1>, vector<16xf32>, vector<16xf32>)
      %get3A_155 = arith.index_cast %scan3A_10 : i32 to index
      %get3A_156 = arith.constant 192 : index
      %get3A_157 = tpu.vector_load %arg4[%get3A_155, %get3A_156] {strides = array<i32>} : memref<128x256xf32, #tpu.memory_space<vmem>>, vector<16xf32>,
      %masked_sort3A_158 = arith.constant dense<true> : vector<16xi1>
      %masked_sort3A_159, %masked_sort3A_160, %masked_sort3A_161 = tpu.sort %get3A_157, %get3A_157 masked %masked_sort3A_158 {descending = true} : (vector<16xf32>, vector<16xf32>, vector<16xi1>) -> (vector<16xi1>, vector<16xf32>, vector<16xf32>)
      %min3A_162 = arith.minimumf %masked_sort3A_153, %masked_sort3A_160 : vector<16xf32>
      %masked_sort3A_163 = arith.constant dense<true> : vector<16xi1>
      %masked_sort3A_164, %masked_sort3A_165, %masked_sort3A_166 = tpu.sort %min3A_162, %masked_sort3A_153 masked %masked_sort3A_163 : (vector<16xf32>, vector<16xf32>, vector<16xi1>) -> (vector<16xi1>, vector<16xf32>, vector<16xf32>)
      %get3A_167 = arith.index_cast %scan3A_10 : i32 to index
      %get3A_168 = arith.constant 208 : index
      %get3A_169 = tpu.vector_load %arg4[%get3A_167, %get3A_168] {strides = array<i32>} : memref<128x256xf32, #tpu.memory_space<vmem>>, vector<16xf32>,
      %masked_sort3A_170 = arith.constant dense<true> : vector<16xi1>
      %masked_sort3A_171, %masked_sort3A_172, %masked_sort3A_173 = tpu.sort %get3A_169, %get3A_169 masked %masked_sort3A_170 {descending = true} : (vector<16xf32>, vector<16xf32>, vector<16xi1>) -> (vector<16xi1>, vector<16xf32>, vector<16xf32>)
      %min3A_174 = arith.minimumf %masked_sort3A_165, %masked_sort3A_172 : vector<16xf32>
      %masked_sort3A_175 = arith.constant dense<true> : vector<16xi1>
      %masked_sort3A_176, %masked_sort3A_177, %masked_sort3A_178 = tpu.sort %min3A_174, %masked_sort3A_165 masked %masked_sort3A_175 : (vector<16xf32>, vector<16xf32>, vector<16xi1>) -> (vector<16xi1>, vector<16xf32>, vector<16xf32>)
      %get3A_179 = arith.index_cast %scan3A_10 : i32 to index
      %get3A_180 = arith.constant 224 : index
      %get3A_181 = tpu.vector_load %arg4[%get3A_179, %get3A_180] {strides = array<i32>} : memref<128x256xf32, #tpu.memory_space<vmem>>, vector<16xf32>,
      %masked_sort3A_182 = arith.constant dense<true> : vector<16xi1>
      %masked_sort3A_183, %masked_sort3A_184, %masked_sort3A_185 = tpu.sort %get3A_181, %get3A_181 masked %masked_sort3A_182 {descending = true} : (vector<16xf32>, vector<16xf32>, vector<16xi1>) -> (vector<16xi1>, vector<16xf32>, vector<16xf32>)
      %min3A_186 = arith.minimumf %masked_sort3A_177, %masked_sort3A_184 : vector<16xf32>
      %masked_sort3A_187 = arith.constant dense<true> : vector<16xi1>
      %masked_sort3A_188, %masked_sort3A_189, %masked_sort3A_190 = tpu.sort %min3A_186, %masked_sort3A_177 masked %masked_sort3A_187 : (vector<16xf32>, vector<16xf32>, vector<16xi1>) -> (vector<16xi1>, vector<16xf32>, vector<16xf32>)
      %get3A_191 = arith.index_cast %scan3A_10 : i32 to index
      %get3A_192 = arith.constant 240 : index
      %get3A_193 = tpu.vector_load %arg4[%get3A_191, %get3A_192] {strides = array<i32>} : memref<128x256xf32, #tpu.memory_space<vmem>>, vector<16xf32>,
      %masked_sort3A_194 = arith.constant dense<true> : vector<16xi1>
      %masked_sort3A_195, %masked_sort3A_196, %masked_sort3A_197 = tpu.sort %get3A_193, %get3A_193 masked %masked_sort3A_194 {descending = true} : (vector<16xf32>, vector<16xf32>, vector<16xi1>) -> (vector<16xi1>, vector<16xf32>, vector<16xf32>)
      %min3A_198 = arith.minimumf %masked_sort3A_189, %masked_sort3A_196 : vector<16xf32>
      %masked_sort3A_199 = arith.constant dense<true> : vector<16xi1>
      %masked_sort3A_200, %masked_sort3A_201, %masked_sort3A_202 = tpu.sort %min3A_198, %masked_sort3A_189 masked %masked_sort3A_199 : (vector<16xf32>, vector<16xf32>, vector<16xi1>) -> (vector<16xi1>, vector<16xf32>, vector<16xf32>)
      %add3A_203 = arith.addf %scan3A_11, %masked_sort3A_201 : vector<16xf32>
      scf.yield %add3A_203 : vector<16xf32>
    }
    %scan3A_8 = arith.constant 128 : i32
    %swap3A = arith.constant 0 : index
    %swap3A_9 = tpu.vector_load %arg5[%swap3A] {strides = array<i32>} : memref<16xf32, #tpu.memory_space<vmem>>, vector<16xf32>,
    tpu.vector_store %arg5[%swap3A], %scan3A_7 {strides = array<i32>} : memref<16xf32, #tpu.memory_space<vmem>>, vector<16xf32>,
    "tpu.region"() ({
      %run_scoped3A = tpu.sem_alloc : memref<!tpu.dma_semaphore, #tpu.memory_space<semaphore_mem>>
      %dma_start3A = arith.constant 0 : i32
      %dma_start3A_10 = tpu.memref_slice %arg3[%add3A, %dma_start3A] : memref<32x16xf32, #tpu.memory_space<hbm>> -> memref<1x16xf32, #tpu.memory_space<hbm>>
      %dma_start3A_11 = tpu.memref_squeeze %dma_start3A_10 : memref<1x16xf32, #tpu.memory_space<hbm>> -> memref<16xf32, #tpu.memory_space<hbm>>
      %dma_start3A_12 = arith.constant 0 : i32
      %dma_start3A_13 = tpu.memref_slice %arg3[%add3A, %dma_start3A_12] : memref<32x16xf32, #tpu.memory_space<hbm>> -> memref<1x16xf32, #tpu.memory_space<hbm>>
      %dma_start3A_14 = tpu.memref_squeeze %dma_start3A_13 : memref<1x16xf32, #tpu.memory_space<hbm>> -> memref<16xf32, #tpu.memory_space<hbm>>
      tpu.enqueue_dma source(%arg5 : memref<16xf32, #tpu.memory_space<vmem>>) target(%dma_start3A_14 : memref<16xf32, #tpu.memory_space<hbm>>) target_semaphore(%run_scoped3A : memref<!tpu.dma_semaphore, #tpu.memory_space<semaphore_mem>>)
      %dma_wait3A = arith.constant 0 : i32
      %dma_wait3A_15 = tpu.memref_slice %arg3[%add3A, %dma_wait3A] : memref<32x16xf32, #tpu.memory_space<hbm>> -> memref<1x16xf32, #tpu.memory_space<hbm>>
      %dma_wait3A_16 = tpu.memref_squeeze %dma_wait3A_15 : memref<1x16xf32, #tpu.memory_space<hbm>> -> memref<16xf32, #tpu.memory_space<hbm>>
      %dma_wait3A_17 = arith.constant 0 : i32
      %dma_wait3A_18 = tpu.memref_slice %arg3[%add3A, %dma_wait3A_17] : memref<32x16xf32, #tpu.memory_space<hbm>> -> memref<1x16xf32, #tpu.memory_space<hbm>>
      %dma_wait3A_19 = tpu.memref_squeeze %dma_wait3A_18 : memref<1x16xf32, #tpu.memory_space<hbm>> -> memref<16xf32, #tpu.memory_space<hbm>>
      tpu.wait_dma2 semaphore(%run_scoped3A : memref<!tpu.dma_semaphore, #tpu.memory_space<semaphore_mem>>) src(%arg5 : memref<16xf32, #tpu.memory_space<vmem>>) dst(%dma_wait3A_19 : memref<16xf32, #tpu.memory_space<hbm>>)
      tpu.yield
    }) : () -> ()
    return
  }
}

module attributes {stable_mosaic.version = 14 : i64} {
  func.func @_main_kernel(%arg0: i32, %arg1: memref<512x2048xf32, #tpu.memory_space<vmem>>, %arg2: memref<2048x4096xbf16, #tpu.memory_space<vmem>>, %arg3: memref<512x256xf32, #tpu.memory_space<vmem>>, %arg4: memref<512x4096xf32, #tpu.memory_space<vmem>>) attributes {dimension_semantics = [#tpu.dimension_semantics<arbitrary>], iteration_bounds = array<i64: 8>, scalar_prefetch = 0 : i64, scratch_operands = 1 : i64, tpu.core_type = #tpu.core_type<tc>, window_params = [{transform_indices = @transform_0, window_bounds = array<i64: 512, 2048>}, {pipeline_mode = #tpu.pipeline_mode<synchronous>, transform_indices = @transform_1, window_bounds = array<i64: 2048, 4096>}, {transform_indices = @transform_2, window_bounds = array<i64: 512, 256>}]} {
    %get3A = arith.constant 0 : index
    %get3A_0 = arith.constant 0 : index
    %get3A_1 = vector.load %arg1[%get3A, %get3A_0] : memref<512x2048xf32, #tpu.memory_space<vmem>>, vector<512x2048xf32>
    %mul3A = arith.mulf %get3A_1, %get3A_1 : vector<512x2048xf32>
    %reduce_sum3A = arith.constant dense<0.000000e+00> : vector<512xf32>
    %reduce_sum3A_2 = vector.multi_reduction <add>, %mul3A, %reduce_sum3A [1] : vector<512x2048xf32> to vector<512xf32>
    %broadcast_in_dim3A = vector.shape_cast %reduce_sum3A_2 : vector<512xf32> to vector<512x1xf32>
    %sqrt3A = math.sqrt %broadcast_in_dim3A : vector<512x1xf32>
    %max3A = arith.constant 9.99999996E-13 : f32
    %max3A_3 = vector.broadcast %max3A : f32 to vector<512x1xf32>
    %max3A_4 = arith.maximumf %sqrt3A, %max3A_3 : vector<512x1xf32>
    %div3A = arith.constant 1.000000e+00 : f32
    %div3A_5 = vector.broadcast %div3A : f32 to vector<512x1xf32>
    %div3A_6 = arith.divf %div3A_5, %max3A_4 : vector<512x1xf32>
    %mul3A_7 = vector.broadcast %div3A_6 : vector<512x1xf32> to vector<512x2048xf32>
    %mul3A_8 = arith.mulf %get3A_1, %mul3A_7 : vector<512x2048xf32>
    %convert_element_type3A = arith.truncf %mul3A_8 : vector<512x2048xf32> to vector<512x2048xbf16>
    %get3A_9 = arith.constant 0 : index
    %get3A_10 = arith.constant 0 : index
    %get3A_11 = vector.load %arg2[%get3A_9, %get3A_10] : memref<2048x4096xbf16, #tpu.memory_space<vmem>>, vector<2048x4096xbf16>
    %dot_general3A = arith.constant dense<0.000000e+00> : vector<512x4096xf32>
    %dot_general3A_12 = tpu.matmul %convert_element_type3A, %get3A_11, %dot_general3A {dimension_numbers = #tpu.dot_dimension_numbers<[1], [0], [0], [1], [0, 0, 1, 1], [], []>, transpose_lhs_hint = false} : vector<512x2048xbf16>, vector<2048x4096xbf16>, vector<512x4096xf32> -> vector<512x4096xf32>
    %swap3A = arith.constant 0 : index
    %swap3A_13 = arith.constant 0 : index
    %swap3A_14 = vector.load %arg4[%swap3A, %swap3A_13] : memref<512x4096xf32, #tpu.memory_space<vmem>>, vector<512x4096xf32>
    tpu.vector_store %arg4[%swap3A, %swap3A_13], %dot_general3A_12 {strides = array<i32>} : memref<512x4096xf32, #tpu.memory_space<vmem>>, vector<512x4096xf32>,
    %mul3A_15 = arith.constant 512 : i32
    %mul3A_16 = arith.muli %arg0, %mul3A_15 : i32
    %get3A_17 = arith.constant 0 : index
    %get3A_18 = arith.index_cast %mul3A_16 : i32 to index
    %get3A_19 = vector.load %arg4[%get3A_17, %get3A_18] : memref<512x4096xf32, #tpu.memory_space<vmem>>, vector<512x512xf32>
    %iota3A = tpu.iota {dimensions = array<i32: 0>} : vector<512x512xi32>
    %iota3A_20 = tpu.iota {dimensions = array<i32: 1>} : vector<512x512xi32>
    %eq3A = arith.cmpi eq, %iota3A, %iota3A_20 : vector<512x512xi32>
    %jit3A = arith.constant 0.000000e+00 : f32
    %broadcast_in_dim3A_21 = vector.broadcast %jit3A : f32 to vector<512x512xf32>
    %select_n3A = arith.select %eq3A, %get3A_19, %broadcast_in_dim3A_21 : vector<512x512xi1>, vector<512x512xf32>
    %reduce_sum3A_22 = arith.constant dense<0.000000e+00> : vector<512xf32>
    %reduce_sum3A_23 = vector.multi_reduction <add>, %select_n3A, %reduce_sum3A_22 [1] : vector<512x512xf32> to vector<512xf32>
    %broadcast_in_dim3A_24 = vector.shape_cast %reduce_sum3A_23 : vector<512xf32> to vector<512x1xf32>
    %jit3A_25 = arith.constant -3.000000e+38 : f32
    %broadcast_in_dim3A_26 = vector.broadcast %jit3A_25 : f32 to vector<512x512xf32>
    %select_n3A_27 = arith.select %eq3A, %broadcast_in_dim3A_26, %get3A_19 : vector<512x512xi1>, vector<512x512xf32>
    %mul3A_28 = arith.constant 512 : i32
    %mul3A_29 = arith.muli %arg0, %mul3A_28 : i32
    %swap3A_30 = arith.constant 0 : index
    %swap3A_31 = arith.index_cast %mul3A_29 : i32 to index
    %swap3A_32 = vector.load %arg4[%swap3A_30, %swap3A_31] : memref<512x4096xf32, #tpu.memory_space<vmem>>, vector<512x512xf32>
    tpu.vector_store %arg4[%swap3A_30, %swap3A_31], %select_n3A_27 {strides = array<i32>} : memref<512x4096xf32, #tpu.memory_space<vmem>>, vector<512x512xf32>,
    %broadcast_in_dim3A_33 = arith.constant -3.000000e+38 : f32
    %broadcast_in_dim3A_34 = vector.broadcast %broadcast_in_dim3A_33 : f32 to vector<512x128xf32>
    %get3A_35 = arith.constant 0 : index
    %get3A_36 = arith.constant 0 : index
    %get3A_37 = vector.load %arg4[%get3A_35, %get3A_36] : memref<512x4096xf32, #tpu.memory_space<vmem>>, vector<512x128xf32>
    %max3A_38 = arith.maximumf %broadcast_in_dim3A_34, %get3A_37 : vector<512x128xf32>
    %min3A = arith.minimumf %broadcast_in_dim3A_34, %get3A_37 : vector<512x128xf32>
    %max3A_39 = arith.maximumf %broadcast_in_dim3A_34, %min3A : vector<512x128xf32>
    %get3A_40 = arith.constant 0 : index
    %get3A_41 = arith.constant 128 : index
    %get3A_42 = vector.load %arg4[%get3A_40, %get3A_41] : memref<512x4096xf32, #tpu.memory_space<vmem>>, vector<512x128xf32>
    %max3A_43 = arith.maximumf %max3A_38, %get3A_42 : vector<512x128xf32>
    %min3A_44 = arith.minimumf %max3A_38, %get3A_42 : vector<512x128xf32>
    %max3A_45 = arith.maximumf %max3A_39, %min3A_44 : vector<512x128xf32>
    %get3A_46 = arith.constant 0 : index
    %get3A_47 = arith.constant 256 : index
    %get3A_48 = vector.load %arg4[%get3A_46, %get3A_47] : memref<512x4096xf32, #tpu.memory_space<vmem>>, vector<512x128xf32>
    %max3A_49 = arith.maximumf %max3A_43, %get3A_48 : vector<512x128xf32>
    %min3A_50 = arith.minimumf %max3A_43, %get3A_48 : vector<512x128xf32>
    %max3A_51 = arith.maximumf %max3A_45, %min3A_50 : vector<512x128xf32>
    %get3A_52 = arith.constant 0 : index
    %get3A_53 = arith.constant 384 : index
    %get3A_54 = vector.load %arg4[%get3A_52, %get3A_53] : memref<512x4096xf32, #tpu.memory_space<vmem>>, vector<512x128xf32>
    %max3A_55 = arith.maximumf %max3A_49, %get3A_54 : vector<512x128xf32>
    %min3A_56 = arith.minimumf %max3A_49, %get3A_54 : vector<512x128xf32>
    %max3A_57 = arith.maximumf %max3A_51, %min3A_56 : vector<512x128xf32>
    %get3A_58 = arith.constant 0 : index
    %get3A_59 = arith.constant 512 : index
    %get3A_60 = vector.load %arg4[%get3A_58, %get3A_59] : memref<512x4096xf32, #tpu.memory_space<vmem>>, vector<512x128xf32>
    %max3A_61 = arith.maximumf %max3A_55, %get3A_60 : vector<512x128xf32>
    %min3A_62 = arith.minimumf %max3A_55, %get3A_60 : vector<512x128xf32>
    %max3A_63 = arith.maximumf %max3A_57, %min3A_62 : vector<512x128xf32>
    %get3A_64 = arith.constant 0 : index
    %get3A_65 = arith.constant 640 : index
    %get3A_66 = vector.load %arg4[%get3A_64, %get3A_65] : memref<512x4096xf32, #tpu.memory_space<vmem>>, vector<512x128xf32>
    %max3A_67 = arith.maximumf %max3A_61, %get3A_66 : vector<512x128xf32>
    %min3A_68 = arith.minimumf %max3A_61, %get3A_66 : vector<512x128xf32>
    %max3A_69 = arith.maximumf %max3A_63, %min3A_68 : vector<512x128xf32>
    %get3A_70 = arith.constant 0 : index
    %get3A_71 = arith.constant 768 : index
    %get3A_72 = vector.load %arg4[%get3A_70, %get3A_71] : memref<512x4096xf32, #tpu.memory_space<vmem>>, vector<512x128xf32>
    %max3A_73 = arith.maximumf %max3A_67, %get3A_72 : vector<512x128xf32>
    %min3A_74 = arith.minimumf %max3A_67, %get3A_72 : vector<512x128xf32>
    %max3A_75 = arith.maximumf %max3A_69, %min3A_74 : vector<512x128xf32>
    %get3A_76 = arith.constant 0 : index
    %get3A_77 = arith.constant 896 : index
    %get3A_78 = vector.load %arg4[%get3A_76, %get3A_77] : memref<512x4096xf32, #tpu.memory_space<vmem>>, vector<512x128xf32>
    %max3A_79 = arith.maximumf %max3A_73, %get3A_78 : vector<512x128xf32>
    %min3A_80 = arith.minimumf %max3A_73, %get3A_78 : vector<512x128xf32>
    %max3A_81 = arith.maximumf %max3A_75, %min3A_80 : vector<512x128xf32>
    %get3A_82 = arith.constant 0 : index
    %get3A_83 = arith.constant 1024 : index
    %get3A_84 = vector.load %arg4[%get3A_82, %get3A_83] : memref<512x4096xf32, #tpu.memory_space<vmem>>, vector<512x128xf32>
    %max3A_85 = arith.maximumf %max3A_79, %get3A_84 : vector<512x128xf32>
    %min3A_86 = arith.minimumf %max3A_79, %get3A_84 : vector<512x128xf32>
    %max3A_87 = arith.maximumf %max3A_81, %min3A_86 : vector<512x128xf32>
    %get3A_88 = arith.constant 0 : index
    %get3A_89 = arith.constant 1152 : index
    %get3A_90 = vector.load %arg4[%get3A_88, %get3A_89] : memref<512x4096xf32, #tpu.memory_space<vmem>>, vector<512x128xf32>
    %max3A_91 = arith.maximumf %max3A_85, %get3A_90 : vector<512x128xf32>
    %min3A_92 = arith.minimumf %max3A_85, %get3A_90 : vector<512x128xf32>
    %max3A_93 = arith.maximumf %max3A_87, %min3A_92 : vector<512x128xf32>
    %get3A_94 = arith.constant 0 : index
    %get3A_95 = arith.constant 1280 : index
    %get3A_96 = vector.load %arg4[%get3A_94, %get3A_95] : memref<512x4096xf32, #tpu.memory_space<vmem>>, vector<512x128xf32>
    %max3A_97 = arith.maximumf %max3A_91, %get3A_96 : vector<512x128xf32>
    %min3A_98 = arith.minimumf %max3A_91, %get3A_96 : vector<512x128xf32>
    %max3A_99 = arith.maximumf %max3A_93, %min3A_98 : vector<512x128xf32>
    %get3A_100 = arith.constant 0 : index
    %get3A_101 = arith.constant 1408 : index
    %get3A_102 = vector.load %arg4[%get3A_100, %get3A_101] : memref<512x4096xf32, #tpu.memory_space<vmem>>, vector<512x128xf32>
    %max3A_103 = arith.maximumf %max3A_97, %get3A_102 : vector<512x128xf32>
    %min3A_104 = arith.minimumf %max3A_97, %get3A_102 : vector<512x128xf32>
    %max3A_105 = arith.maximumf %max3A_99, %min3A_104 : vector<512x128xf32>
    %get3A_106 = arith.constant 0 : index
    %get3A_107 = arith.constant 1536 : index
    %get3A_108 = vector.load %arg4[%get3A_106, %get3A_107] : memref<512x4096xf32, #tpu.memory_space<vmem>>, vector<512x128xf32>
    %max3A_109 = arith.maximumf %max3A_103, %get3A_108 : vector<512x128xf32>
    %min3A_110 = arith.minimumf %max3A_103, %get3A_108 : vector<512x128xf32>
    %max3A_111 = arith.maximumf %max3A_105, %min3A_110 : vector<512x128xf32>
    %get3A_112 = arith.constant 0 : index
    %get3A_113 = arith.constant 1664 : index
    %get3A_114 = vector.load %arg4[%get3A_112, %get3A_113] : memref<512x4096xf32, #tpu.memory_space<vmem>>, vector<512x128xf32>
    %max3A_115 = arith.maximumf %max3A_109, %get3A_114 : vector<512x128xf32>
    %min3A_116 = arith.minimumf %max3A_109, %get3A_114 : vector<512x128xf32>
    %max3A_117 = arith.maximumf %max3A_111, %min3A_116 : vector<512x128xf32>
    %get3A_118 = arith.constant 0 : index
    %get3A_119 = arith.constant 1792 : index
    %get3A_120 = vector.load %arg4[%get3A_118, %get3A_119] : memref<512x4096xf32, #tpu.memory_space<vmem>>, vector<512x128xf32>
    %max3A_121 = arith.maximumf %max3A_115, %get3A_120 : vector<512x128xf32>
    %min3A_122 = arith.minimumf %max3A_115, %get3A_120 : vector<512x128xf32>
    %max3A_123 = arith.maximumf %max3A_117, %min3A_122 : vector<512x128xf32>
    %get3A_124 = arith.constant 0 : index
    %get3A_125 = arith.constant 1920 : index
    %get3A_126 = vector.load %arg4[%get3A_124, %get3A_125] : memref<512x4096xf32, #tpu.memory_space<vmem>>, vector<512x128xf32>
    %max3A_127 = arith.maximumf %max3A_121, %get3A_126 : vector<512x128xf32>
    %min3A_128 = arith.minimumf %max3A_121, %get3A_126 : vector<512x128xf32>
    %max3A_129 = arith.maximumf %max3A_123, %min3A_128 : vector<512x128xf32>
    %get3A_130 = arith.constant 0 : index
    %get3A_131 = arith.constant 2048 : index
    %get3A_132 = vector.load %arg4[%get3A_130, %get3A_131] : memref<512x4096xf32, #tpu.memory_space<vmem>>, vector<512x128xf32>
    %max3A_133 = arith.maximumf %max3A_127, %get3A_132 : vector<512x128xf32>
    %min3A_134 = arith.minimumf %max3A_127, %get3A_132 : vector<512x128xf32>
    %max3A_135 = arith.maximumf %max3A_129, %min3A_134 : vector<512x128xf32>
    %get3A_136 = arith.constant 0 : index
    %get3A_137 = arith.constant 2176 : index
    %get3A_138 = vector.load %arg4[%get3A_136, %get3A_137] : memref<512x4096xf32, #tpu.memory_space<vmem>>, vector<512x128xf32>
    %max3A_139 = arith.maximumf %max3A_133, %get3A_138 : vector<512x128xf32>
    %min3A_140 = arith.minimumf %max3A_133, %get3A_138 : vector<512x128xf32>
    %max3A_141 = arith.maximumf %max3A_135, %min3A_140 : vector<512x128xf32>
    %get3A_142 = arith.constant 0 : index
    %get3A_143 = arith.constant 2304 : index
    %get3A_144 = vector.load %arg4[%get3A_142, %get3A_143] : memref<512x4096xf32, #tpu.memory_space<vmem>>, vector<512x128xf32>
    %max3A_145 = arith.maximumf %max3A_139, %get3A_144 : vector<512x128xf32>
    %min3A_146 = arith.minimumf %max3A_139, %get3A_144 : vector<512x128xf32>
    %max3A_147 = arith.maximumf %max3A_141, %min3A_146 : vector<512x128xf32>
    %get3A_148 = arith.constant 0 : index
    %get3A_149 = arith.constant 2432 : index
    %get3A_150 = vector.load %arg4[%get3A_148, %get3A_149] : memref<512x4096xf32, #tpu.memory_space<vmem>>, vector<512x128xf32>
    %max3A_151 = arith.maximumf %max3A_145, %get3A_150 : vector<512x128xf32>
    %min3A_152 = arith.minimumf %max3A_145, %get3A_150 : vector<512x128xf32>
    %max3A_153 = arith.maximumf %max3A_147, %min3A_152 : vector<512x128xf32>
    %get3A_154 = arith.constant 0 : index
    %get3A_155 = arith.constant 2560 : index
    %get3A_156 = vector.load %arg4[%get3A_154, %get3A_155] : memref<512x4096xf32, #tpu.memory_space<vmem>>, vector<512x128xf32>
    %max3A_157 = arith.maximumf %max3A_151, %get3A_156 : vector<512x128xf32>
    %min3A_158 = arith.minimumf %max3A_151, %get3A_156 : vector<512x128xf32>
    %max3A_159 = arith.maximumf %max3A_153, %min3A_158 : vector<512x128xf32>
    %get3A_160 = arith.constant 0 : index
    %get3A_161 = arith.constant 2688 : index
    %get3A_162 = vector.load %arg4[%get3A_160, %get3A_161] : memref<512x4096xf32, #tpu.memory_space<vmem>>, vector<512x128xf32>
    %max3A_163 = arith.maximumf %max3A_157, %get3A_162 : vector<512x128xf32>
    %min3A_164 = arith.minimumf %max3A_157, %get3A_162 : vector<512x128xf32>
    %max3A_165 = arith.maximumf %max3A_159, %min3A_164 : vector<512x128xf32>
    %get3A_166 = arith.constant 0 : index
    %get3A_167 = arith.constant 2816 : index
    %get3A_168 = vector.load %arg4[%get3A_166, %get3A_167] : memref<512x4096xf32, #tpu.memory_space<vmem>>, vector<512x128xf32>
    %max3A_169 = arith.maximumf %max3A_163, %get3A_168 : vector<512x128xf32>
    %min3A_170 = arith.minimumf %max3A_163, %get3A_168 : vector<512x128xf32>
    %max3A_171 = arith.maximumf %max3A_165, %min3A_170 : vector<512x128xf32>
    %get3A_172 = arith.constant 0 : index
    %get3A_173 = arith.constant 2944 : index
    %get3A_174 = vector.load %arg4[%get3A_172, %get3A_173] : memref<512x4096xf32, #tpu.memory_space<vmem>>, vector<512x128xf32>
    %max3A_175 = arith.maximumf %max3A_169, %get3A_174 : vector<512x128xf32>
    %min3A_176 = arith.minimumf %max3A_169, %get3A_174 : vector<512x128xf32>
    %max3A_177 = arith.maximumf %max3A_171, %min3A_176 : vector<512x128xf32>
    %get3A_178 = arith.constant 0 : index
    %get3A_179 = arith.constant 3072 : index
    %get3A_180 = vector.load %arg4[%get3A_178, %get3A_179] : memref<512x4096xf32, #tpu.memory_space<vmem>>, vector<512x128xf32>
    %max3A_181 = arith.maximumf %max3A_175, %get3A_180 : vector<512x128xf32>
    %min3A_182 = arith.minimumf %max3A_175, %get3A_180 : vector<512x128xf32>
    %max3A_183 = arith.maximumf %max3A_177, %min3A_182 : vector<512x128xf32>
    %get3A_184 = arith.constant 0 : index
    %get3A_185 = arith.constant 3200 : index
    %get3A_186 = vector.load %arg4[%get3A_184, %get3A_185] : memref<512x4096xf32, #tpu.memory_space<vmem>>, vector<512x128xf32>
    %max3A_187 = arith.maximumf %max3A_181, %get3A_186 : vector<512x128xf32>
    %min3A_188 = arith.minimumf %max3A_181, %get3A_186 : vector<512x128xf32>
    %max3A_189 = arith.maximumf %max3A_183, %min3A_188 : vector<512x128xf32>
    %get3A_190 = arith.constant 0 : index
    %get3A_191 = arith.constant 3328 : index
    %get3A_192 = vector.load %arg4[%get3A_190, %get3A_191] : memref<512x4096xf32, #tpu.memory_space<vmem>>, vector<512x128xf32>
    %max3A_193 = arith.maximumf %max3A_187, %get3A_192 : vector<512x128xf32>
    %min3A_194 = arith.minimumf %max3A_187, %get3A_192 : vector<512x128xf32>
    %max3A_195 = arith.maximumf %max3A_189, %min3A_194 : vector<512x128xf32>
    %get3A_196 = arith.constant 0 : index
    %get3A_197 = arith.constant 3456 : index
    %get3A_198 = vector.load %arg4[%get3A_196, %get3A_197] : memref<512x4096xf32, #tpu.memory_space<vmem>>, vector<512x128xf32>
    %max3A_199 = arith.maximumf %max3A_193, %get3A_198 : vector<512x128xf32>
    %min3A_200 = arith.minimumf %max3A_193, %get3A_198 : vector<512x128xf32>
    %max3A_201 = arith.maximumf %max3A_195, %min3A_200 : vector<512x128xf32>
    %get3A_202 = arith.constant 0 : index
    %get3A_203 = arith.constant 3584 : index
    %get3A_204 = vector.load %arg4[%get3A_202, %get3A_203] : memref<512x4096xf32, #tpu.memory_space<vmem>>, vector<512x128xf32>
    %max3A_205 = arith.maximumf %max3A_199, %get3A_204 : vector<512x128xf32>
    %min3A_206 = arith.minimumf %max3A_199, %get3A_204 : vector<512x128xf32>
    %max3A_207 = arith.maximumf %max3A_201, %min3A_206 : vector<512x128xf32>
    %get3A_208 = arith.constant 0 : index
    %get3A_209 = arith.constant 3712 : index
    %get3A_210 = vector.load %arg4[%get3A_208, %get3A_209] : memref<512x4096xf32, #tpu.memory_space<vmem>>, vector<512x128xf32>
    %max3A_211 = arith.maximumf %max3A_205, %get3A_210 : vector<512x128xf32>
    %min3A_212 = arith.minimumf %max3A_205, %get3A_210 : vector<512x128xf32>
    %max3A_213 = arith.maximumf %max3A_207, %min3A_212 : vector<512x128xf32>
    %get3A_214 = arith.constant 0 : index
    %get3A_215 = arith.constant 3840 : index
    %get3A_216 = vector.load %arg4[%get3A_214, %get3A_215] : memref<512x4096xf32, #tpu.memory_space<vmem>>, vector<512x128xf32>
    %max3A_217 = arith.maximumf %max3A_211, %get3A_216 : vector<512x128xf32>
    %min3A_218 = arith.minimumf %max3A_211, %get3A_216 : vector<512x128xf32>
    %max3A_219 = arith.maximumf %max3A_213, %min3A_218 : vector<512x128xf32>
    %get3A_220 = arith.constant 0 : index
    %get3A_221 = arith.constant 3968 : index
    %get3A_222 = vector.load %arg4[%get3A_220, %get3A_221] : memref<512x4096xf32, #tpu.memory_space<vmem>>, vector<512x128xf32>
    %max3A_223 = arith.maximumf %max3A_217, %get3A_222 : vector<512x128xf32>
    %min3A_224 = arith.minimumf %max3A_217, %get3A_222 : vector<512x128xf32>
    %max3A_225 = arith.maximumf %max3A_219, %min3A_224 : vector<512x128xf32>
    %concatenate3A = tpu.concatenate %max3A_223, %max3A_225 in 1 : vector<512x128xf32>, vector<512x128xf32> -> vector<512x256xf32>
    %sub3A = vector.broadcast %broadcast_in_dim3A_24 : vector<512x1xf32> to vector<512x256xf32>
    %sub3A_226 = arith.subf %sub3A, %concatenate3A : vector<512x256xf32>
    %swap3A_227 = arith.constant 0 : index
    %swap3A_228 = arith.constant 0 : index
    %swap3A_229 = vector.load %arg3[%swap3A_227, %swap3A_228] : memref<512x256xf32, #tpu.memory_space<vmem>>, vector<512x256xf32>
    tpu.vector_store %arg3[%swap3A_227, %swap3A_228], %sub3A_226 {strides = array<i32>} : memref<512x256xf32, #tpu.memory_space<vmem>>, vector<512x256xf32>,
    return
  }
  func.func @transform_0(%arg0: i32) -> (i32, i32) {
    %c0_i32 = arith.constant 0 : i32
    %c0_i32_0 = arith.constant 0 : i32
    return %arg0, %c0_i32 : i32, i32
  }
  func.func @transform_1(%arg0: i32) -> (i32, i32) {
    %c0_i32 = arith.constant 0 : i32
    %c0_i32_0 = arith.constant 0 : i32
    %c0_i32_1 = arith.constant 0 : i32
    return %c0_i32, %c0_i32_0 : i32, i32
  }
  func.func @transform_2(%arg0: i32) -> (i32, i32) {
    %c0_i32 = arith.constant 0 : i32
    %c0_i32_0 = arith.constant 0 : i32
    return %arg0, %c0_i32 : i32, i32
  }
}

module attributes {stable_mosaic.version = 14 : i64} {
  func.func @_prep_kernel(%arg0: i32, %arg1: memref<512x2048xf32, #tpu.memory_space<vmem>>, %arg2: memref<2048x512xbf16, #tpu.memory_space<vmem>>) attributes {dimension_semantics = [#tpu.dimension_semantics<arbitrary>], iteration_bounds = array<i64: 8>, scalar_prefetch = 0 : i64, scratch_operands = 0 : i64, tpu.core_type = #tpu.core_type<tc>, window_params = [{transform_indices = @transform_0, window_bounds = array<i64: 512, 2048>}, {transform_indices = @transform_1, window_bounds = array<i64: 2048, 512>}]} {
    %get3A = arith.constant 0 : index
    %get3A_0 = arith.constant 0 : index
    %get3A_1 = vector.load %arg1[%get3A, %get3A_0] : memref<512x2048xf32, #tpu.memory_space<vmem>>, vector<512x2048xf32>
    %mul3A = arith.mulf %get3A_1, %get3A_1 : vector<512x2048xf32>
    %reduce_sum3A = arith.constant dense<0.000000e+00> : vector<512xf32>
    %reduce_sum3A_2 = vector.multi_reduction <add>, %mul3A, %reduce_sum3A [1] : vector<512x2048xf32> to vector<512xf32>
    %broadcast_in_dim3A = vector.shape_cast %reduce_sum3A_2 : vector<512xf32> to vector<512x1xf32>
    %sqrt3A = math.sqrt %broadcast_in_dim3A : vector<512x1xf32>
    %max3A = arith.constant 9.99999996E-13 : f32
    %max3A_3 = vector.broadcast %max3A : f32 to vector<512x1xf32>
    %max3A_4 = arith.maximumf %sqrt3A, %max3A_3 : vector<512x1xf32>
    %div3A = arith.constant 1.000000e+00 : f32
    %div3A_5 = vector.broadcast %div3A : f32 to vector<512x1xf32>
    %div3A_6 = arith.divf %div3A_5, %max3A_4 : vector<512x1xf32>
    %mul3A_7 = vector.broadcast %div3A_6 : vector<512x1xf32> to vector<512x2048xf32>
    %mul3A_8 = arith.mulf %get3A_1, %mul3A_7 : vector<512x2048xf32>
    %convert_element_type3A = arith.truncf %mul3A_8 : vector<512x2048xf32> to vector<512x2048xbf16>
    %transpose3A = tpu.transpose %convert_element_type3A, [1, 0] : vector<512x2048xbf16> -> vector<2048x512xbf16>
    %swap3A = arith.constant 0 : index
    %swap3A_9 = arith.constant 0 : index
    %swap3A_10 = vector.load %arg2[%swap3A, %swap3A_9] : memref<2048x512xbf16, #tpu.memory_space<vmem>>, vector<2048x512xbf16>
    tpu.vector_store %arg2[%swap3A, %swap3A_9], %transpose3A {strides = array<i32>} : memref<2048x512xbf16, #tpu.memory_space<vmem>>, vector<2048x512xbf16>,
    return
  }
  func.func @transform_0(%arg0: i32) -> (i32, i32) {
    %c0_i32 = arith.constant 0 : i32
    %c0_i32_0 = arith.constant 0 : i32
    return %arg0, %c0_i32 : i32, i32
  }
  func.func @transform_1(%arg0: i32) -> (i32, i32) {
    %c0_i32 = arith.constant 0 : i32
    %c0_i32_0 = arith.constant 0 : i32
    return %c0_i32, %arg0 : i32, i32
  }
}

</mosaic_0001>

<sc_bundles>
// kernel: kernel.5.cloned.1.call-start
scs
__scs_entry_jumppad:
0x0: {  	(pc) =	sbr.rel $0x88, $3  }
0x1: {  	(tag) =	ssettag $0x0;
	lr =	simm.s32 $0x1  }
0x2: {  	[smem:$0x3F9F] =	sst lr;
	_ =	strace $0xD0000000  }
0x3: {  	_ = 	snop  }
0x4: {  	_ = 	snop  }
0x5: {  	_ = 	snop  }
0x6: {  	_ = 	snop  }
0x7: {  	_ = 	snop  }
__scs_overlays_trampoline_lowered:
0x8: {  	[smem:$0x3FAE] =	sst s0  }
0x9: {  	[smem:$0x3FAF] =	sst s1  }
0xa: {  	[smem:$0x3FB0] =	sst s2  }
0xb: {  	[smem:$0x3FB1] =	sst s3  }
0xc: {  	[smem:$0x3FB2] =	sst s4  }
0xd: {  	[smem:$0x3FB3] =	sst s5  }
0xe: {  	[smem:$0x3FB4] =	sst s6  }
0xf: {  	[smem:$0x3FB5] =	sst s7  }
0x10: {  	[smem:$0x3FB6] =	sst s8  }
0x11: {  	[smem:$0x3FB7] =	sst s9;
	s0 =	simm.s32 @!p0 $0x0  }
0x12: {  	s1 =	sld [smem:$0x3F9D];
	s0 =	simm.s32 @p0 $0x1  }
0x13: {  	[smem:$0x3FB8] =	sst s0;
	s0 =	simm.s32 @!p1 $0x0  }
0x14: {  	s2 =	sld [smem:$0x3F9C];
	s0 =	simm.s32 @p1 $0x1  }
0x15: {  	[smem:$0x3FB9] =	sst s0;
	s0 =	simm.s32 @!p2 $0x0  }
0x16: {  	s3 =	sld [smem:$0x3FDB];
	s0 =	simm.s32 @p2 $0x1  }
0x17: {  	s4 =	simm.s32 $0x1BF5;
	[smem:$0x3FBB] =	sst s0  }
0x18: {  	s0 =	sld [smem:$0x3F9E];
	_ =	swait.ge [sflag:s4], $0x0  }
0x19: {  	s7 =	sld [smem:$0x3F9F]  }
0x1a: {  	s8 =	sadd.s32 $0xFFFFE003, lr  }
0x1b: {  	s9 =	sadd.s32 $0xFFFFFEF7, lr;
	s5 =	simm.s32 $0xFFFFFFFF;
	p2 =	slt.u32 s8, $0xFFFFF086  }
0x1c: {  	p1 =	slt.u32 s9, $0xF7A;
	s5 =	simm.s32 @!p2 $0x0  }
0x1d: {  	s5 =	simm.s32 @p1 $0x1;
	p0 =	seq.s32 s7, s2  }
0x1e: {  	s7 =	smul.u32 @!p0 $0xF7A, s2;
	p2 =	seq.s32 @!p0 s5, $0x0  }
0x1f: {  	s9 =	smul.u32 $0xF7A, s1;
	s8 =	simm.s32 @!p0 $0x1BF5;
	p2 =	por !p2, p0  }
0x20: {  	[sflag:s8] =	ssyncset.s32 @!p0 $0xFFFFF086;
	s6 =	sadd.s32 @!p0 s3, s7;
	s7 =	simm.s32 @!p0 $0x108  }
0x21: {  	s3 =	sadd.s32 s3, s9;
	s6 =	sadd.s32 @!p0 $0x88, s6;
	s7 =	simm.s32 @p2 $0x1082  }
0x22: {  	[simem:s7], [sflag:s8] =	dma.local @!p0 [hbm:s6], $0xF7A  }
0x23: {  	s9 =	sor.u32 $0xD0000000, s2;
	s6 =	simm.s32 $0x108;
	_ =	swait.ge @!p0 [sflag:s8], $0x0  }
0x24: {  	s3 =	sadd.s32 $0x88, s3;
	s6 =	simm.s32 @!p1 $0x1082;
	[sflag:s4] =	ssyncset.s32 $0xFFFFF086  }
0x25: {  	[simem:s6], [sflag:s4] =	dma.local [hbm:s3], $0xF7A  }
0x26: {  	[smem:$0x3F9F] =	sst s1;
	(tag) =	ssettag s2;
	_ =	strace s9  }
0x27: {  	s1 =	sld [smem:$0x3FAF]  }
0x28: {  	s2 =	sld [smem:$0x3FB0]  }
0x29: {  	s4 =	sld [smem:$0x3FB2]  }
0x2a: {  	p0 =	seq.s32 s5, $0x0;
	s5 =	sld [smem:$0x3FB3]  }
0x2b: {  	s6 =	sld [smem:$0x3FB4]  }
0x2c: {  	s7 =	sld [smem:$0x3FB5]  }
0x2d: {  	s3 =	simm.s32 $0x108;
	s8 =	sld [smem:$0x3FB6]  }
0x2e: {  	s3 =	simm.s32 @!p0 $0x1082;
	s9 =	sld [smem:$0x3FB7]  }
0x2f: {  	lr =	sadd.s32 s0, s3;
	s0 =	sld [smem:$0x3FAE]  }
0x30: {  	s3 =	sld [smem:$0x3FB1]  }
0x31: {  	[smem:$0x3FBA] =	sst s10  }
0x32: {  	s10 =	sld [smem:$0x3FB8];
	_ =	sdelay $0x3  }
0x33: {  	p0 =	seq.s32 s10, $0x1;
	s10 =	sld [smem:$0x3FBA];
	_ =	sdelay $0x3  }
0x34: {  	[smem:$0x3FBA] =	sst s10  }
0x35: {  	s10 =	sld [smem:$0x3FB9];
	_ =	sdelay $0x3  }
0x36: {  	p1 =	seq.s32 s10, $0x1;
	s10 =	sld [smem:$0x3FBA];
	_ =	sdelay $0x3  }
0x37: {  	[smem:$0x3FBA] =	sst s10  }
0x38: {  	s10 =	sld [smem:$0x3FBB]  }
0x39: {  	_ = 	snop;
	(pc) =	sbr.ind lr, $3  }
0x3a: {  	_ = 	snop  }
0x3b: {  	_ = 	snop  }
0x3c: {  	p2 =	seq.s32 s10, $0x1;
	s10 =	sld [smem:$0x3FBA]  }
0x3d: {  	_ =	shalt  }
0x3e: {  	_ =	shalt  }
0x3f: {  	_ =	shalt  }
0x40: {  	_ =	shalt  }
0x41: {  	_ =	shalt  }
0x42: {  	_ =	shalt  }
0x43: {  	_ =	shalt  }
0x44: {  	_ =	shalt  }
0x45: {  	_ =	shalt  }
0x46: {  	_ =	shalt  }
0x47: {  	_ =	shalt  }
0x48: {  	_ =	shalt  }
0x49: {  	_ =	shalt  }
0x4a: {  	_ =	shalt  }
0x4b: {  	_ =	shalt  }
0x4c: {  	_ =	shalt  }
0x4d: {  	_ =	shalt  }
0x4e: {  	_ =	shalt  }
0x4f: {  	_ =	shalt  }
0x50: {  	_ =	shalt  }
0x51: {  	_ =	shalt  }
0x52: {  	_ =	shalt  }
0x53: {  	_ =	shalt  }
0x54: {  	_ =	shalt  }
0x55: {  	_ =	shalt  }
0x56: {  	_ =	shalt  }
0x57: {  	_ =	shalt  }
0x58: {  	_ =	shalt  }
0x59: {  	_ =	shalt  }
0x5a: {  	_ =	shalt  }
0x5b: {  	_ =	shalt  }
0x5c: {  	_ =	shalt  }
0x5d: {  	_ =	shalt  }
0x5e: {  	_ =	shalt  }
0x5f: {  	_ =	shalt  }
0x60: {  	_ =	shalt  }
0x61: {  	_ =	shalt  }
0x62: {  	_ =	shalt  }
0x63: {  	_ =	shalt  }
0x64: {  	_ =	shalt  }
0x65: {  	_ =	shalt  }
0x66: {  	_ =	shalt  }
0x67: {  	_ =	shalt  }
0x68: {  	_ =	shalt  }
0x69: {  	_ =	shalt  }
0x6a: {  	_ =	shalt  }
0x6b: {  	_ =	shalt  }
0x6c: {  	_ =	shalt  }
0x6d: {  	_ =	shalt  }
0x6e: {  	_ =	shalt  }
0x6f: {  	_ =	shalt  }
0x70: {  	_ =	shalt  }
0x71: {  	_ =	shalt  }
0x72: {  	_ =	shalt  }
0x73: {  	_ =	shalt  }
0x74: {  	_ =	shalt  }
0x75: {  	_ =	shalt  }
0x76: {  	_ =	shalt  }
0x77: {  	_ =	shalt  }
0x78: {  	_ =	shalt  }
0x79: {  	_ =	shalt  }
0x7a: {  	_ =	shalt  }
0x7b: {  	_ =	shalt  }
0x7c: {  	_ =	shalt  }
0x7d: {  	_ =	shalt  }
0x7e: {  	_ =	shalt  }
0x7f: {  	_ =	shalt  }
0x80: {  	_ =	shalt  }
0x81: {  	_ =	shalt  }
0x82: {  	_ =	shalt  }
0x83: {  	_ =	shalt  }
0x84: {  	_ =	shalt  }
0x85: {  	_ =	shalt  }
0x86: {  	_ =	shalt  }
0x87: {  	_ =	shalt  }
.Lfunc_end0:
.L_simem_size_0:
called_computation_lowered:
.L_overlay_start_0:
0x88: {  	s2 =	sld [smem:$0x3FD9]  }
0x89: {  	s3 =	sld [smem:$0x3FFE];
	_ =	sdelay $0x1  }
0x8a: {  	s1 =	srdreg.scid  }
0x8b: {  	s0 =	sand.u32 $0x1, s1  }
0x8c: {  	s16 =	sshll.u32 s0, $0xA;
	s2 =	sadd.s32 s3, s2  }
0x8d: {  	s2 =	sadd.s32 s2, s16  }
0x8e: {  	[smem:$0x3FC6] =	sst s2  }
0x8f: {  	_ = 	snop  }
0x90: {  	(tm) =	ssettm $0x1  }
0x91: {  	s17 =	sld [smem:$0x3FFB];
	_ =	sdelay $0x3  }
0x92: {  	_ =	strace s17  }
0x93: {  	s2 =	sld [smem:$0x3FFC];
	_ =	sdelay $0x3  }
0x94: {  	_ =	strace s2  }
0x95: {  	s2 =	sld [smem:$0x3FFD];
	_ =	sdelay $0x3  }
0x96: {  	_ =	strace s2  }
0x97: {  	_ =	strace $0x8FFFFFFF  }
0x98: {  	s18 =	sld [smem:$0x3FDB];
	_ =	sdelay $0x1  }
0x99: {  	s19 =	simm.s32 $_scs_section_size  }
0x9a: {  	s4 =	simm.s32 $_size__tile_overlayer_lowered;
	s5 =	simm.s32 $_tile_overlayer_lowered  }
0x9b: {  	s22 =	simm.s32 $0x1BFF;
	s21 =	sshll.u32 s5, $0x1;
	s2 =	sadd.s32 s19, s18  }
0x9c: {  	s6 =	simm.s32 $0x0;
	s20 =	sshll.u32 s4, $0x1;
	s4 =	sadd.s32 s21, s2  }
0x9d: {  	[timem:s6], [sflag:s22] =	dma.local [hbm:s4], s20  }
0x9e: {  	_ =	swait.ge [sflag:s22], s20  }
0x9f: {  	s3 =	ssub.s32 $0x0, s20;
	[sflag:s22] =	ssyncset.done $0x0  }
0xa0: {  	[sflag:s22] =	ssyncadd.s32 s3;
	_ =	sdelay $0x1  }
0xa1: {  	s23 =	simm.s32 $0x1B8B  }
0xa2: {  	_ =	swait.ge [sflag:s23], $0x1  }
0xa3: {  	[sflag:s23] =	ssyncset.done $0x0  }
0xa4: {  	s25 =	simm.s32 $0x1B8E;
	s24 =	sld [smem:$0x3FFE];
	[sflag:s23] =	ssyncadd.s32 $0xFFFFFFFF  }
0xa5: {  	s26 =	simm.s32 $execute0_lowered;
	[smem:$0x3FD2] =	sst s25  }
0xa6: {  	s4 =	sshll.u32 s26, $0x1;
	_ =	strace $0x80000046;
	[dreg:$0x1] =	wrdreg $0xFFFFFFFF  }
0xa7: {  	s28 =	simm.s32 $_size_execute0_lowered;
	s2 =	sadd.s32 s2, s4;
	[dreg:$0x0] =	wrdreg $0x0  }
0xa8: {  	s4 =	sshll.u32 s28, $0x1;
	[dreg:$0x2] =	wrdreg s2  }
0xa9: {  	[dreg:$0x3] =	wrdreg s4  }
0xaa: {  	[dreg:$0x4] =	wrdreg $0xC0  }
0xab: {  	_ =	task [dreg:s6], $0x5FFFF  }
0xac: {  	[dreg:$0x1] =	wrdreg $0xFFFFFFFF  }
0xad: {  	[dreg:$0x0] =	wrdreg $0x60  }
0xae: {  	[dreg:$0x2] =	wrdreg s24  }
0xaf: {  	[dreg:$0x3] =	wrdreg $0x9  }
0xb0: {  	_ =	task.clear_ibuf [dreg:s6], $0x4FFFF;
	_ =	strace $0x90000046  }
0xb1: {  	s29 =	simm.s32 $0x9;
	_ =	strace $0x80000048  }
0xb2: {  	_ =	swait.ge [sflag:s29], $0x1  }
0xb3: {  	[sflag:s29] =	ssyncadd.s32 $0xFFFFFFFF  }
0xb4: {  	_ =	strace $0x90000048  }
0xb5: {  	_ =	sfence  }
0xb6: {  	s30 =	sld [smem:$0x0];
	_ =	sdelay $0x2  }
0xb7: {  	s31 =	sshll.u32 s1, $0xD;
	s1 =	sshrl.u32 s1, $0x2  }
0xb8: {  	s3 =	sand.u32 $0x4000, s31;
	s1 =	sadd.s32 s1, s30  }
0xb9: {  	s0 =	sor.u32 s3, s0;
	s1 =	sshll.u32 s1, $0x11  }
0xba: {  	s0 =	sor.u32 s1, s0  }
0xbb: {  	s0 =	sadd.s32 $0x8F2B, s0  }
0xbc: {  	[sflag:s0] =	ssyncadd.remote.s32 $0x1  }
0xbd: {  	_ =	sfence.sel $0xFFFF  }
0xbe: {  	[dreg:$0x0] =	wrdreg $0xFFFFFFFF;
	(pc) =	sbr.abs _section_cstart, $3  }
0xbf: {  	[dreg:$0x1] =	wrdreg $0xFFFFFFFF  }
0xc0: {  	_ =	task.clear_ibuf [dreg:s6], $0x2FFFF;
	_ =	strace $0x9FFFFFFF  }
0xc1: {  	(tm) =	ssettm $0x7FFFFFFF  }
tec
execute0_lowered:
.L_overlay_start_1:
0x0: {  	(tag) =	ssettag $0x1  }
0x1: {  	s3 =	rddreg [dreg:$0x0]  }
0x2: {  	s0 =	rddreg [dreg:$0x1]  }
0x3: {  	s2 =	simm.s32 $0x0;
	s4 =	srdreg.scid;
	s1 =	stileid.u32  }
0x4: {  	[smem:$0x7FF] =	sst s2;
	s4 =	sand.u32 $0x1, s4;
	s5 =	sshll.u32 s1, $0x1  }
0x5: {  	s8 =	simm.s32 $0x0;
	_ =	strace $0x80000047;
	s5 =	sor.u32 s4, s5  }
0x6: {  	s4 =	ssub.s32 $0x2, s4;
	s6 =	sshll.u32 s5, $0xC;
	s5 =	sshll.u32 s5, $0x4  }
0x7: {  	s7 =	sshrl.u32 s4, $0x1;
	s6 =	sadd.s32 s6, s3;
	s5 =	sadd.s32 s5, s3  }
0x8: {  	s7 =	ssub.s32 s4, s7;
	s3 =	sadd.s32 $0x200, s6;
	s4 =	sadd.s32 $0x20200, s5  }
0x9: {  	v0 =	vimm.f32 $3.000000010e+38;
	s5 =	smax.u32 s7, $0x1;
	s6 =	simm.s32 $0x1;
	s7 =	simm.s32 $0x8000  }
.LBB2_1:
0xa: {  	[tilespmem:s2], [sflag:$0x1] =	stream.linear.gather [hbm4b:s3+s2], $0x8000, $0x38;
	[tilespmem:$0x8080] =	vst v63  }
0xb: {  	_ =	swait.ge [sflag:s6], $0x8000  }
0xc: {  	s9 =	sand.u32 $0x7800, s2;
	s10 =	sand.u32 $0x380, s2;
	[sflag:s6] =	ssyncset.done $0x0  }
0xd: {  	s16 =	sor.u32 s10, s9;
	[sflag:s6] =	ssyncadd.s32 $0xFFFF8000  }
0xe: {  	v1 =	vld [tilespmem:s16+$0x0];
	_ =	sdelay $0x4  }
0xf: {  	(xrf1) =	vsort.dscd.msk.f32 $0xffff, v1, v1;
	_ =	sdelay $0x9  }
0x10: {  	v1 =	vld [tilespmem:s16+$0x10];
	_ =	sdelay $0x3  }
0x11: {  	v2, _, _ =	vpop (xrf1)  }
0x12: {  	(xrf1) =	vsort.dscd.msk.f32 $0xffff, v1, v1;
	v2 =	vmin.f32 v2, $3.000000010e+38  }
0x13: {  	(xrf1) =	vsort.ascd.msk.f32 $0xffff, v2, v0;
	_ =	sdelay $0x6  }
0x14: {  	s19 =	simm.s32 $0x100;
	s20 =	simm.s32 $0x80  }
0x15: {  	s9 =	sand.u32 $0x7800, s19;
	s10 =	sand.u32 $0x380, s20  }
0x16: {  	s15 =	sor.u32 s10, s9;
	v1 =	vld [tilespmem:s16+$0x20]  }
0x17: {  	v2 =	vld [tilespmem:s15+$0x0];
	_ =	sdelay $0x2  }
0x18: {  	v3, _, _ =	vpop (xrf1)  }
0x19: {  	v4, _, _ =	vpop (xrf1);
	(xrf1) =	vsort.dscd.msk.f32 $0xffff, v1, v1  }
0x1a: {  	(xrf1) =	vsort.dscd.msk.f32 $0xffff, v2, v2;
	v1 =	vmin.f32 v4, v3  }
0x1b: {  	(xrf1) =	vsort.ascd.msk.f32 $0xffff, v1, v4;
	_ =	sdelay $0x7  }
0x1c: {  	v1 =	vld [tilespmem:s16+$0x30]  }
0x1d: {  	v2 =	vld [tilespmem:s15+$0x10];
	_ =	sdelay $0x2  }
0x1e: {  	v3, _, _ =	vpop (xrf1)  }
0x1f: {  	(xrf1) =	vsort.dscd.msk.f32 $0xffff, v1, v1;
	v4, _, _ =	vpop (xrf1)  }
0x20: {  	(xrf1) =	vsort.dscd.msk.f32 $0xffff, v2, v2;
	v1, _, _ =	vpop (xrf1);
	v4 =	vmin.f32 v4, $3.000000010e+38  }
0x21: {  	(xrf1) =	vsort.ascd.msk.f32 $0xffff, v4, v0;
	v2 =	vmin.f32 v1, v3  }
0x22: {  	(xrf1) =	vsort.ascd.msk.f32 $0xffff, v2, v1;
	_ =	sdelay $0x5  }
0x23: {  	s21 =	simm.s32 $0x200;
	s22 =	simm.s32 $0x100  }
0x24: {  	s9 =	sand.u32 $0x7800, s21;
	s10 =	sand.u32 $0x380, s22;
	v1 =	vld [tilespmem:s16+$0x40]  }
0x25: {  	s13 =	sor.u32 s10, s9;
	v2 =	vld [tilespmem:s15+$0x20]  }
0x26: {  	v3 =	vld [tilespmem:s13+$0x0];
	_ =	sdelay $0x1  }
0x27: {  	v4, _, _ =	vpop (xrf1)  }
0x28: {  	v5, _, _ =	vpop (xrf1);
	(xrf1) =	vsort.dscd.msk.f32 $0xffff, v1, v1  }
0x29: {  	(xrf1) =	vsort.dscd.msk.f32 $0xffff, v2, v2;
	v1, _, _ =	vpop (xrf1)  }
0x2a: {  	(xrf1) =	vsort.dscd.msk.f32 $0xffff, v3, v3;
	v2 =	vmin.f32 v1, v5;
	v3, _, _ =	vpop (xrf1)  }
0x2b: {  	(xrf1) =	vsort.ascd.msk.f32 $0xffff, v2, v1;
	v1 =	vmin.f32 v3, v4  }
0x2c: {  	(xrf1) =	vsort.ascd.msk.f32 $0xffff, v1, v3;
	_ =	sdelay $0x5  }
0x2d: {  	v1 =	vld [tilespmem:s16+$0x50]  }
0x2e: {  	v2 =	vld [tilespmem:s15+$0x30]  }
0x2f: {  	v3 =	vld [tilespmem:s13+$0x10];
	_ =	sdelay $0x1  }
0x30: {  	v4, _, _ =	vpop (xrf1)  }
0x31: {  	v5, _, _ =	vpop (xrf1);
	(xrf1) =	vsort.dscd.msk.f32 $0xffff, v1, v1  }
0x32: {  	v1, _, _ =	vpop (xrf1);
	(xrf1) =	vsort.dscd.msk.f32 $0xffff, v2, v2  }
0x33: {  	v1 =	vmin.f32 v1, $3.000000010e+38;
	(xrf1) =	vsort.dscd.msk.f32 $0xffff, v3, v3;
	v2, _, _ =	vpop (xrf1)  }
0x34: {  	(xrf1) =	vsort.ascd.msk.f32 $0xffff, v1, v0;
	v3, _, _ =	vpop (xrf1);
	v1 =	vmin.f32 v2, v5  }
0x35: {  	(xrf1) =	vsort.ascd.msk.f32 $0xffff, v1, v2;
	v1 =	vmin.f32 v3, v4  }
0x36: {  	(xrf1) =	vsort.ascd.msk.f32 $0xffff, v1, v3;
	_ =	sdelay $0x2  }
0x37: {  	s23 =	simm.s32 $0x300;
	s24 =	simm.s32 $0x180;
	v1 =	vld [tilespmem:s16+$0x60]  }
0x38: {  	s9 =	sand.u32 $0x7800, s23;
	s10 =	sand.u32 $0x380, s24;
	v2 =	vld [tilespmem:s15+$0x40]  }
0x39: {  	s11 =	sor.u32 s10, s9;
	v3 =	vld [tilespmem:s13+$0x20]  }
0x3a: {  	v4 =	vld [tilespmem:s11+$0x0];
	_ =	sdelay $0x1  }
0x3b: {  	(xrf1) =	vsort.dscd.msk.f32 $0xffff, v1, v1  }
0x3c: {  	v5, _, _ =	vpop (xrf1);
	(xrf1) =	vsort.dscd.msk.f32 $0xffff, v2, v2  }
0x3d: {  	v6, _, _ =	vpop (xrf1);
	(xrf1) =	vsort.dscd.msk.f32 $0xffff, v3, v3  }
0x3e: {  	v1, _, _ =	vpop (xrf1);
	(xrf1) =	vsort.dscd.msk.f32 $0xffff, v4, v4  }
0x3f: {  	v2, _, _ =	vpop (xrf1)  }
0x40: {  	v1 =	vmin.f32 v2, v1;
	v3, _, _ =	vpop (xrf1)  }
0x41: {  	(xrf1) =	vsort.ascd.msk.f32 $0xffff, v1, v2;
	v1 =	vmin.f32 v3, v6;
	v2, _, _ =	vpop (xrf1)  }
0x42: {  	(xrf1) =	vsort.ascd.msk.f32 $0xffff, v1, v3;
	v1 =	vmin.f32 v2, v5  }
0x43: {  	(xrf1) =	vsort.ascd.msk.f32 $0xffff, v1, v2;
	_ =	sdelay $0x1  }
0x44: {  	v1 =	vld [tilespmem:s16+$0x70]  }
0x45: {  	v2 =	vld [tilespmem:s15+$0x50]  }
0x46: {  	v3 =	vld [tilespmem:s13+$0x30]  }
0x47: {  	v4 =	vld [tilespmem:s11+$0x10]  }
0x48: {  	v5, _, _ =	vpop (xrf1)  }
0x49: {  	v6, _, _ =	vpop (xrf1);
	(xrf1) =	vsort.dscd.msk.f32 $0xffff, v1, v1  }
0x4a: {  	v1, _, _ =	vpop (xrf1);
	(xrf1) =	vsort.dscd.msk.f32 $0xffff, v2, v2  }
0x4b: {  	v2, _, _ =	vpop (xrf1);
	(xrf1) =	vsort.dscd.msk.f32 $0xffff, v3, v3  }
0x4c: {  	v2 =	vmin.f32 v2, $3.000000010e+38;
	(xrf1) =	vsort.dscd.msk.f32 $0xffff, v4, v4  }
0x4d: {  	(xrf1) =	vsort.ascd.msk.f32 $0xffff, v2, v0  }
0x4e: {  	v3, _, _ =	vpop (xrf1)  }
0x4f: {  	v1 =	vmin.f32 v3, v1;
	v4, _, _ =	vpop (xrf1)  }
0x50: {  	(xrf1) =	vsort.ascd.msk.f32 $0xffff, v1, v3;
	v2, _, _ =	vpop (xrf1);
	v1 =	vmin.f32 v4, v6  }
0x51: {  	(xrf1) =	vsort.ascd.msk.f32 $0xffff, v1, v4;
	v1 =	vmin.f32 v2, v5  }
0x52: {  	(xrf1) =	vsort.ascd.msk.f32 $0xffff, v1, v2  }
0x53: {  	v1 =	vld [tilespmem:s16+$0x400]  }
0x54: {  	s25 =	simm.s32 $0x400;
	s26 =	simm.s32 $0x200;
	v2 =	vld [tilespmem:s15+$0x60]  }
0x55: {  	s9 =	sand.u32 $0x7800, s25;
	s10 =	sand.u32 $0x380, s26;
	v3 =	vld [tilespmem:s13+$0x40]  }
0x56: {  	s10 =	sor.u32 s10, s9;
	v4 =	vld [tilespmem:s11+$0x20]  }
0x57: {  	v5 =	vld [tilespmem:s10+$0x0];
	v6, _, _ =	vpop (xrf1)  }
0x58: {  	v7, _, _ =	vpop (xrf1);
	(xrf1) =	vsort.dscd.msk.f32 $0xffff, v1, v1  }
0x59: {  	v1, _, _ =	vpop (xrf1);
	(xrf1) =	vsort.dscd.msk.f32 $0xffff, v2, v2  }
0x5a: {  	v2, _, _ =	vpop (xrf1);
	(xrf1) =	vsort.dscd.msk.f32 $0xffff, v3, v3  }
0x5b: {  	v3, _, _ =	vpop (xrf1);
	(xrf1) =	vsort.dscd.msk.f32 $0xffff, v4, v4  }
0x5c: {  	v2 =	vmin.f32 v3, v2;
	(xrf1) =	vsort.dscd.msk.f32 $0xffff, v5, v5  }
0x5d: {  	(xrf1) =	vsort.ascd.msk.f32 $0xffff, v2, v3  }
0x5e: {  	v4, _, _ =	vpop (xrf1)  }
0x5f: {  	v1 =	vmin.f32 v4, v1;
	v2, _, _ =	vpop (xrf1)  }
0x60: {  	(xrf1) =	vsort.ascd.msk.f32 $0xffff, v1, v4;
	v1 =	vmin.f32 v2, v7;
	v3, _, _ =	vpop (xrf1)  }
0x61: {  	(xrf1) =	vsort.ascd.msk.f32 $0xffff, v1, v2;
	v1 =	vmin.f32 v3, v6  }
0x62: {  	(xrf1) =	vsort.ascd.msk.f32 $0xffff, v1, v3;
	v1 =	vld [tilespmem:s16+$0x410]  }
0x63: {  	v2 =	vld [tilespmem:s15+$0x70]  }
0x64: {  	v3 =	vld [tilespmem:s13+$0x50]  }
0x65: {  	v4 =	vld [tilespmem:s11+$0x30]  }
0x66: {  	v6 =	vld [tilespmem:s10+$0x10];
	v5, _, _ =	vpop (xrf1)  }
0x67: {  	v7, _, _ =	vpop (xrf1);
	(xrf1) =	vsort.dscd.msk.f32 $0xffff, v1, v1  }
0x68: {  	v1, _, _ =	vpop (xrf1);
	(xrf1) =	vsort.dscd.msk.f32 $0xffff, v2, v2  }
0x69: {  	v2, _, _ =	vpop (xrf1);
	(xrf1) =	vsort.dscd.msk.f32 $0xffff, v3, v3  }
0x6a: {  	v3, _, _ =	vpop (xrf1);
	(xrf1) =	vsort.dscd.msk.f32 $0xffff, v4, v4  }
0x6b: {  	v4, _, _ =	vpop (xrf1);
	v3 =	vmin.f32 v3, $3.000000010e+38;
	(xrf1) =	vsort.dscd.msk.f32 $0xffff, v6, v6  }
0x6c: {  	v2 =	vmin.f32 v4, v2;
	(xrf1) =	vsort.ascd.msk.f32 $0xffff, v3, v0  }
0x6d: {  	(xrf1) =	vsort.ascd.msk.f32 $0xffff, v2, v4  }
0x6e: {  	v6, _, _ =	vpop (xrf1)  }
0x6f: {  	v1 =	vmin.f32 v6, v1;
	v3, _, _ =	vpop (xrf1)  }
0x70: {  	(xrf1) =	vsort.ascd.msk.f32 $0xffff, v1, v6;
	v2, _, _ =	vpop (xrf1);
	v1 =	vmin.f32 v3, v7  }
0x71: {  	(xrf1) =	vsort.ascd.msk.f32 $0xffff, v1, v3;
	v1 =	vmin.f32 v2, v5  }
0x72: {  	(xrf1) =	vsort.ascd.msk.f32 $0xffff, v1, v2;
	v1 =	vld [tilespmem:s16+$0x420]  }
0x73: {  	v2 =	vld [tilespmem:s15+$0x400]  }
0x74: {  	v3 =	vld [tilespmem:s13+$0x60]  }
0x75: {  	s28 =	simm.s32 $0x500;
	s12 =	simm.s32 $0x280;
	v4 =	vld [tilespmem:s11+$0x40];
	v6, _, _ =	vpop (xrf1)  }
0x76: {  	s12 =	sand.u32 $0x380, s12;
	s9 =	sand.u32 $0x7800, s28;
	v5 =	vld [tilespmem:s10+$0x20];
	v8, _, _ =	vpop (xrf1)  }
0x77: {  	s9 =	sor.u32 s12, s9;
	(xrf1) =	vsort.dscd.msk.f32 $0xffff, v1, v1;
	v1, _, _ =	vpop (xrf1)  }
0x78: {  	v7 =	vld [tilespmem:s9+$0x0];
	(xrf1) =	vsort.dscd.msk.f32 $0xffff, v2, v2;
	v2, _, _ =	vpop (xrf1)  }
0x79: {  	(xrf1) =	vsort.dscd.msk.f32 $0xffff, v3, v3;
	v3, _, _ =	vpop (xrf1)  }
0x7a: {  	(xrf1) =	vsort.dscd.msk.f32 $0xffff, v4, v4;
	v4, _, _ =	vpop (xrf1)  }
0x7b: {  	(xrf1) =	vsort.dscd.msk.f32 $0xffff, v5, v5;
	v3 =	vmin.f32 v4, v3;
	v5, _, _ =	vpop (xrf1)  }
0x7c: {  	v2 =	vmin.f32 v5, v2  }
0x7d: {  	(xrf1) =	vsort.dscd.msk.f32 $0xffff, v7, v7  }
0x7e: {  	(xrf1) =	vsort.ascd.msk.f32 $0xffff, v3, v4;
	v3, _, _ =	vpop (xrf1)  }
0x7f: {  	(xrf1) =	vsort.ascd.msk.f32 $0xffff, v2, v5;
	v1 =	vmin.f32 v3, v1;
	v2, _, _ =	vpop (xrf1)  }
0x80: {  	(xrf1) =	vsort.ascd.msk.f32 $0xffff, v1, v3;
	v1 =	vmin.f32 v2, v8;
	v3, _, _ =	vpop (xrf1)  }
0x81: {  	(xrf1) =	vsort.ascd.msk.f32 $0xffff, v1, v2;
	v1 =	vmin.f32 v3, v6  }
0x82: {  	(xrf1) =	vsort.ascd.msk.f32 $0xffff, v1, v3;
	v1 =	vld [tilespmem:s16+$0x430]  }
0x83: {  	v2 =	vld [tilespmem:s15+$0x410]  }
0x84: {  	v3 =	vld [tilespmem:s13+$0x70]  }
0x85: {  	v4 =	vld [tilespmem:s11+$0x50]  }
0x86: {  	v6 =	vld [tilespmem:s10+$0x30];
	v5, _, _ =	vpop (xrf1)  }
0x87: {  	v8 =	vld [tilespmem:s9+$0x10];
	v7, _, _ =	vpop (xrf1);
	(xrf1) =	vsort.dscd.msk.f32 $0xffff, v1, v1  }
0x88: {  	v1, _, _ =	vpop (xrf1);
	(xrf1) =	vsort.dscd.msk.f32 $0xffff, v2, v2  }
0x89: {  	v2, _, _ =	vpop (xrf1);
	(xrf1) =	vsort.dscd.msk.f32 $0xffff, v3, v3  }
0x8a: {  	v3, _, _ =	vpop (xrf1);
	(xrf1) =	vsort.dscd.msk.f32 $0xffff, v4, v4  }
0x8b: {  	v4, _, _ =	vpop (xrf1);
	(xrf1) =	vsort.dscd.msk.f32 $0xffff, v6, v6  }
0x8c: {  	v6, _, _ =	vpop (xrf1);
	v4 =	vmin.f32 v4, $3.000000010e+38;
	(xrf1) =	vsort.dscd.msk.f32 $0xffff, v8, v8  }
0x8d: {  	v3 =	vmin.f32 v6, v3;
	(xrf1) =	vsort.ascd.msk.f32 $0xffff, v4, v0  }
0x8e: {  	v8, _, _ =	vpop (xrf1)  }
0x8f: {  	v2 =	vmin.f32 v8, v2;
	v4, _, _ =	vpop (xrf1);
	(xrf1) =	vsort.ascd.msk.f32 $0xffff, v3, v6  }
0x90: {  	v3, _, _ =	vpop (xrf1);
	(xrf1) =	vsort.ascd.msk.f32 $0xffff, v2, v8;
	v1 =	vmin.f32 v4, v1  }
0x91: {  	(xrf1) =	vsort.ascd.msk.f32 $0xffff, v1, v4;
	v1 =	vmin.f32 v3, v7  }
0x92: {  	v2, _, _ =	vpop (xrf1);
	(xrf1) =	vsort.ascd.msk.f32 $0xffff, v1, v3;
	v3 =	vld [tilespmem:s16+$0x440]  }
0x93: {  	v4 =	vld [tilespmem:s15+$0x420];
	v1 =	vmin.f32 v2, v5  }
0x94: {  	(xrf1) =	vsort.ascd.msk.f32 $0xffff, v1, v2;
	v1 =	vld [tilespmem:s13+$0x400]  }
0x95: {  	s29 =	simm.s32 $0x600;
	s14 =	simm.s32 $0x300;
	v2 =	vld [tilespmem:s11+$0x60];
	v6, _, _ =	vpop (xrf1)  }
0x96: {  	s14 =	sand.u32 $0x380, s14;
	s12 =	sand.u32 $0x7800, s29;
	v5 =	vld [tilespmem:s10+$0x40];
	v8, _, _ =	vpop (xrf1)  }
0x97: {  	s12 =	sor.u32 s14, s12;
	v7 =	vld [tilespmem:s9+$0x20];
	(xrf1) =	vsort.dscd.msk.f32 $0xffff, v3, v3;
	v9, _, _ =	vpop (xrf1)  }
0x98: {  	v3 =	vld [tilespmem:s12+$0x0];
	(xrf1) =	vsort.dscd.msk.f32 $0xffff, v4, v4;
	v4, _, _ =	vpop (xrf1)  }
0x99: {  	(xrf1) =	vsort.dscd.msk.f32 $0xffff, v1, v1;
	v1, _, _ =	vpop (xrf1)  }
0x9a: {  	(xrf1) =	vsort.dscd.msk.f32 $0xffff, v2, v2;
	v2, _, _ =	vpop (xrf1)  }
0x9b: {  	(xrf1) =	vsort.dscd.msk.f32 $0xffff, v5, v5;
	v5, _, _ =	vpop (xrf1)  }
0x9c: {  	(xrf1) =	vsort.dscd.msk.f32 $0xffff, v7, v7;
	v2 =	vmin.f32 v5, v2  }
0x9d: {  	(xrf1) =	vsort.dscd.msk.f32 $0xffff, v3, v3  }
0x9e: {  	v3, _, _ =	vpop (xrf1);
	(xrf1) =	vsort.ascd.msk.f32 $0xffff, v2, v5  }
0x9f: {  	v1 =	vmin.f32 v3, v1;
	v2, _, _ =	vpop (xrf1)  }
0xa0: {  	(xrf1) =	vsort.ascd.msk.f32 $0xffff, v1, v3;
	v1 =	vmin.f32 v2, v4;
	v3, _, _ =	vpop (xrf1)  }
0xa1: {  	(xrf1) =	vsort.ascd.msk.f32 $0xffff, v1, v2;
	v1 =	vmin.f32 v3, v9;
	v2, _, _ =	vpop (xrf1)  }
0xa2: {  	v4 =	vld [tilespmem:s16+$0x450];
	(xrf1) =	vsort.ascd.msk.f32 $0xffff, v1, v3;
	v1 =	vmin.f32 v2, v8;
	v3, _, _ =	vpop (xrf1)  }
0xa3: {  	(xrf1) =	vsort.ascd.msk.f32 $0xffff, v1, v2;
	v1 =	vmin.f32 v3, v6;
	v2 =	vld [tilespmem:s15+$0x430]  }
0xa4: {  	(xrf1) =	vsort.ascd.msk.f32 $0xffff, v1, v3;
	v1 =	vld [tilespmem:s13+$0x410]  }
0xa5: {  	v3 =	vld [tilespmem:s11+$0x70];
	v5, _, _ =	vpop (xrf1)  }
0xa6: {  	v6 =	vld [tilespmem:s10+$0x50];
	v7, _, _ =	vpop (xrf1)  }
0xa7: {  	v8 =	vld [tilespmem:s9+$0x30];
	(xrf1) =	vsort.dscd.msk.f32 $0xffff, v4, v4;
	v4, _, _ =	vpop (xrf1)  }
0xa8: {  	v9 =	vld [tilespmem:s12+$0x10];
	(xrf1) =	vsort.dscd.msk.f32 $0xffff, v2, v2;
	v2, _, _ =	vpop (xrf1)  }
0xa9: {  	(xrf1) =	vsort.dscd.msk.f32 $0xffff, v1, v1;
	v1, _, _ =	vpop (xrf1)  }
0xaa: {  	(xrf1) =	vsort.dscd.msk.f32 $0xffff, v3, v3;
	v3, _, _ =	vpop (xrf1)  }
0xab: {  	(xrf1) =	vsort.dscd.msk.f32 $0xffff, v6, v6;
	v6, _, _ =	vpop (xrf1)  }
0xac: {  	(xrf1) =	vsort.dscd.msk.f32 $0xffff, v8, v8;
	v8, _, _ =	vpop (xrf1);
	v6 =	vmin.f32 v6, $3.000000010e+38  }
0xad: {  	(xrf1) =	vsort.dscd.msk.f32 $0xffff, v9, v9;
	v3 =	vmin.f32 v8, v3  }
0xae: {  	v9, _, _ =	vpop (xrf1);
	(xrf1) =	vsort.ascd.msk.f32 $0xffff, v6, v0  }
0xaf: {  	v1 =	vmin.f32 v9, v1;
	v6, _, _ =	vpop (xrf1);
	(xrf1) =	vsort.ascd.msk.f32 $0xffff, v3, v8  }
0xb0: {  	v3, _, _ =	vpop (xrf1);
	(xrf1) =	vsort.ascd.msk.f32 $0xffff, v1, v9;
	v1 =	vmin.f32 v6, v2  }
0xb1: {  	v2, _, _ =	vpop (xrf1);
	(xrf1) =	vsort.ascd.msk.f32 $0xffff, v1, v6;
	v1 =	vmin.f32 v3, v4;
	v4 =	vld [tilespmem:s16+$0x460]  }
0xb2: {  	v6, _, _ =	vpop (xrf1);
	(xrf1) =	vsort.ascd.msk.f32 $0xffff, v1, v3;
	v1 =	vmin.f32 v2, v7;
	v3 =	vld [tilespmem:s15+$0x440]  }
0xb3: {  	v7 =	vld [tilespmem:s13+$0x420];
	(xrf1) =	vsort.ascd.msk.f32 $0xffff, v1, v2;
	v1 =	vmin.f32 v6, v5  }
0xb4: {  	v2 =	vld [tilespmem:s11+$0x400];
	(xrf1) =	vsort.ascd.msk.f32 $0xffff, v1, v6  }
0xb5: {  	s30 =	simm.s32 $0x700;
	s17 =	simm.s32 $0x380;
	v5, _, _ =	vpop (xrf1);
	v1 =	vld [tilespmem:s10+$0x60]  }
0xb6: {  	s17 =	sand.u32 $0x380, s17;
	s14 =	sand.u32 $0x7800, s30;
	v6 =	vld [tilespmem:s9+$0x40];
	v8, _, _ =	vpop (xrf1);
	(xrf1) =	vsort.dscd.msk.f32 $0xffff, v4, v4  }
0xb7: {  	s14 =	sor.u32 s17, s14;
	v4 =	vld [tilespmem:s12+$0x20];
	v9, _, _ =	vpop (xrf1);
	(xrf1) =	vsort.dscd.msk.f32 $0xffff, v3, v3  }
0xb8: {  	v3 =	vld [tilespmem:s14+$0x0];
	v10, _, _ =	vpop (xrf1);
	(xrf1) =	vsort.dscd.msk.f32 $0xffff, v7, v7  }
0xb9: {  	v7, _, _ =	vpop (xrf1);
	(xrf1) =	vsort.dscd.msk.f32 $0xffff, v2, v2  }
0xba: {  	v2, _, _ =	vpop (xrf1);
	(xrf1) =	vsort.dscd.msk.f32 $0xffff, v1, v1  }
0xbb: {  	v1, _, _ =	vpop (xrf1);
	(xrf1) =	vsort.dscd.msk.f32 $0xffff, v6, v6  }
0xbc: {  	v6, _, _ =	vpop (xrf1);
	(xrf1) =	vsort.dscd.msk.f32 $0xffff, v4, v4  }
0xbd: {  	(xrf1) =	vsort.dscd.msk.f32 $0xffff, v3, v3;
	v1 =	vmin.f32 v6, v1;
	v3, _, _ =	vpop (xrf1)  }
0xbe: {  	(xrf1) =	vsort.ascd.msk.f32 $0xffff, v1, v6;
	v1 =	vmin.f32 v3, v2;
	v2, _, _ =	vpop (xrf1)  }
0xbf: {  	(xrf1) =	vsort.ascd.msk.f32 $0xffff, v1, v3;
	v1 =	vmin.f32 v2, v7;
	v3, _, _ =	vpop (xrf1)  }
0xc0: {  	(xrf1) =	vsort.ascd.msk.f32 $0xffff, v1, v2;
	v1 =	vmin.f32 v3, v10;
	v2, _, _ =	vpop (xrf1)  }
0xc1: {  	(xrf1) =	vsort.ascd.msk.f32 $0xffff, v1, v3;
	v1 =	vmin.f32 v2, v9;
	v3, _, _ =	vpop (xrf1)  }
0xc2: {  	(xrf1) =	vsort.ascd.msk.f32 $0xffff, v1, v2;
	v1 =	vmin.f32 v3, v8;
	v2, _, _ =	vpop (xrf1)  }
0xc3: {  	v4 =	vld [tilespmem:s16+$0x470];
	(xrf1) =	vsort.ascd.msk.f32 $0xffff, v1, v3;
	v1 =	vmin.f32 v2, v5  }
0xc4: {  	v6 =	vld [tilespmem:s15+$0x450]  }
0xc5: {  	v7 =	vld [tilespmem:s13+$0x430]  }
0xc6: {  	v3 =	vld [tilespmem:s11+$0x410];
	(xrf1) =	vsort.ascd.msk.f32 $0xffff, v1, v2;
	v1, _, _ =	vpop (xrf1)  }
0xc7: {  	v2 =	vld [tilespmem:s10+$0x70];
	v5, _, _ =	vpop (xrf1)  }
0xc8: {  	v8 =	vld [tilespmem:s9+$0x50];
	(xrf1) =	vsort.dscd.msk.f32 $0xffff, v4, v4;
	v4, _, _ =	vpop (xrf1)  }
0xc9: {  	v9 =	vld [tilespmem:s12+$0x30];
	(xrf1) =	vsort.dscd.msk.f32 $0xffff, v6, v6;
	v6, _, _ =	vpop (xrf1)  }
0xca: {  	v10 =	vld [tilespmem:s14+$0x10];
	(xrf1) =	vsort.dscd.msk.f32 $0xffff, v7, v7;
	v7, _, _ =	vpop (xrf1)  }
0xcb: {  	(xrf1) =	vsort.dscd.msk.f32 $0xffff, v3, v3;
	v3, _, _ =	vpop (xrf1)  }
0xcc: {  	(xrf1) =	vsort.dscd.msk.f32 $0xffff, v2, v2;
	v2, _, _ =	vpop (xrf1)  }
0xcd: {  	(xrf1) =	vsort.dscd.msk.f32 $0xffff, v8, v8;
	v8, _, _ =	vpop (xrf1)  }
0xce: {  	(xrf1) =	vsort.dscd.msk.f32 $0xffff, v9, v9;
	v8 =	vmin.f32 v8, $3.000000010e+38  }
0xcf: {  	v9, _, _ =	vpop (xrf1);
	(xrf1) =	vsort.dscd.msk.f32 $0xffff, v10, v10  }
0xd0: {  	v10, _, _ =	vpop (xrf1);
	(xrf1) =	vsort.ascd.msk.f32 $0xffff, v8, v0;
	v2 =	vmin.f32 v9, v2  }
0xd1: {  	v8, _, _ =	vpop (xrf1);
	(xrf1) =	vsort.ascd.msk.f32 $0xffff, v2, v9;
	v2 =	vmin.f32 v10, v3  }
0xd2: {  	v3, _, _ =	vpop (xrf1);
	(xrf1) =	vsort.ascd.msk.f32 $0xffff, v2, v10;
	v2 =	vmin.f32 v8, v7  }
0xd3: {  	v7, _, _ =	vpop (xrf1);
	(xrf1) =	vsort.ascd.msk.f32 $0xffff, v2, v8;
	v2 =	vmin.f32 v3, v6  }
0xd4: {  	v8, _, _ =	vpop (xrf1);
	(xrf1) =	vsort.ascd.msk.f32 $0xffff, v2, v3;
	v2 =	vmin.f32 v7, v4  }
0xd5: {  	v6 =	vld [tilespmem:s15+$0x460];
	(xrf1) =	vsort.ascd.msk.f32 $0xffff, v2, v7;
	v2 =	vmin.f32 v8, v5  }
0xd6: {  	v9 =	vld [tilespmem:s13+$0x440]  }
0xd7: {  	v10 =	vld [tilespmem:s11+$0x420];
	v4, _, _ =	vpop (xrf1)  }
0xd8: {  	v11 =	vld [tilespmem:s10+$0x400];
	(xrf1) =	vsort.ascd.msk.f32 $0xffff, v2, v8;
	v1 =	vmin.f32 v4, v1;
	v2, _, _ =	vpop (xrf1)  }
0xd9: {  	s31 =	simm.s32 $0x800;
	s17 =	simm.s32 $0x400;
	v8 =	vld [tilespmem:s9+$0x60];
	(xrf1) =	vsort.ascd.msk.f32 $0xffff, v1, v4;
	v3, _, _ =	vpop (xrf1)  }
0xda: {  	s18 =	sand.u32 $0x380, s17;
	s16 =	sand.u32 $0x7800, s31;
	v1 =	vld [tilespmem:s12+$0x40];
	(xrf1) =	vsort.dscd.msk.f32 $0xffff, v6, v6;
	v4, _, _ =	vpop (xrf1)  }
0xdb: {  	v12 =	vld [tilespmem:s14+$0x20];
	s16 =	sor.u32 s18, s16;
	(xrf1) =	vsort.dscd.msk.f32 $0xffff, v9, v9;
	v5, _, _ =	vpop (xrf1)  }
0xdc: {  	v9 =	vld [tilespmem:s16+$0x0];
	(xrf1) =	vsort.dscd.msk.f32 $0xffff, v10, v10;
	v6, _, _ =	vpop (xrf1)  }
0xdd: {  	(xrf1) =	vsort.dscd.msk.f32 $0xffff, v11, v11;
	v7, _, _ =	vpop (xrf1)  }
0xde: {  	(xrf1) =	vsort.dscd.msk.f32 $0xffff, v8, v8;
	v10, _, _ =	vpop (xrf1)  }
0xdf: {  	(xrf1) =	vsort.dscd.msk.f32 $0xffff, v1, v1;
	v8, _, _ =	vpop (xrf1)  }
0xe0: {  	(xrf1) =	vsort.dscd.msk.f32 $0xffff, v12, v12;
	v11, _, _ =	vpop (xrf1)  }
0xe1: {  	(xrf1) =	vsort.dscd.msk.f32 $0xffff, v9, v9;
	v9 =	vmin.f32 v11, v8;
	_ =	sdelay $0x1  }
0xe2: {  	v8, _, _ =	vpop (xrf1)  }
0xe3: {  	s18 =	simm.s32 $0x900;
	v1 =	vimm.f32 $0.0e+00;
	(xrf1) =	vsort.ascd.msk.f32 $0xffff, v9, v11;
	v10 =	vmin.f32 v8, v10;
	v9, _, _ =	vpop (xrf1)  }
.LBB2_2:
0xe4: {  	p0 =	sne.s32 s18, $0x7F00;
	(xrf1) =	vsort.ascd.msk.f32 $0xffff, v10, v8;
	v10 =	vmin.f32 v9, v7;
	v8, _, _ =	vpop (xrf1)  }
0xe5: {  	(xrf1) =	vsort.ascd.msk.f32 $0xffff, v10, v9;
	v9 =	vmin.f32 v8, v6;
	v7, _, _ =	vpop (xrf1)  }
0xe6: {  	(xrf1) =	vsort.ascd.msk.f32 $0xffff, v9, v8;
	v5 =	vmin.f32 v7, v5;
	v6, _, _ =	vpop (xrf1);
	v8 =	vld [tilespmem:s15+$0x470];
	s15 =	smov.u32 s13;
	s13 =	smov.u32 s11;
	s11 =	smov.u32 s10  }
0xe7: {  	s10 =	smov.u32 s9;
	s9 =	smov.u32 s12;
	s12 =	smov.u32 s14;
	(xrf1) =	vsort.ascd.msk.f32 $0xffff, v5, v7;
	v10 =	vmin.f32 v6, v4;
	v5 =	vld [tilespmem:s15+$0x450];
	v7, _, _ =	vpop (xrf1)  }
0xe8: {  	s14 =	smov.u32 s16;
	v9 =	vld [tilespmem:s13+$0x430];
	(xrf1) =	vsort.ascd.msk.f32 $0xffff, v10, v6;
	v11 =	vmin.f32 v7, v3;
	v4, _, _ =	vpop (xrf1)  }
0xe9: {  	v6 =	vld [tilespmem:s11+$0x410];
	(xrf1) =	vsort.ascd.msk.f32 $0xffff, v11, v7;
	v3, _, _ =	vpop (xrf1);
	v2 =	vmin.f32 v4, v2  }
0xea: {  	v7 =	vld [tilespmem:s10+$0x70];
	v10, _, _ =	vpop (xrf1);
	(xrf1) =	vsort.ascd.msk.f32 $0xffff, v2, v4  }
0xeb: {  	v2 =	vld [tilespmem:s9+$0x50];
	v4, _, _ =	vpop (xrf1);
	(xrf1) =	vsort.dscd.msk.f32 $0xffff, v8, v8  }
0xec: {  	v8 =	vld [tilespmem:s12+$0x30];
	v11, _, _ =	vpop (xrf1);
	(xrf1) =	vsort.dscd.msk.f32 $0xffff, v5, v5  }
0xed: {  	v5 =	vld [tilespmem:s14+$0x10];
	v12, _, _ =	vpop (xrf1);
	(xrf1) =	vsort.dscd.msk.f32 $0xffff, v9, v9  }
0xee: {  	v9, _, _ =	vpop (xrf1);
	(xrf1) =	vsort.dscd.msk.f32 $0xffff, v6, v6  }
0xef: {  	v6, _, _ =	vpop (xrf1);
	(xrf1) =	vsort.dscd.msk.f32 $0xffff, v7, v7  }
0xf0: {  	v7, _, _ =	vpop (xrf1);
	(xrf1) =	vsort.dscd.msk.f32 $0xffff, v2, v2  }
0xf1: {  	v2, _, _ =	vpop (xrf1);
	(xrf1) =	vsort.dscd.msk.f32 $0xffff, v8, v8  }
0xf2: {  	v8 =	vmin.f32 v7, $3.000000010e+38;
	(xrf1) =	vsort.dscd.msk.f32 $0xffff, v5, v5;
	v5, _, _ =	vpop (xrf1)  }
0xf3: {  	(xrf1) =	vsort.ascd.msk.f32 $0xffff, v8, v0;
	v8 =	vmin.f32 v2, v6;
	v7, _, _ =	vpop (xrf1)  }
0xf4: {  	(xrf1) =	vsort.ascd.msk.f32 $0xffff, v8, v2;
	v2 =	vmin.f32 v5, v9;
	v6, _, _ =	vpop (xrf1)  }
0xf5: {  	(xrf1) =	vsort.ascd.msk.f32 $0xffff, v2, v5;
	v2 =	vmin.f32 v7, v12;
	v5, _, _ =	vpop (xrf1)  }
0xf6: {  	(xrf1) =	vsort.ascd.msk.f32 $0xffff, v2, v7;
	v2 =	vmin.f32 v6, v11;
	v7 =	vld [tilespmem:s15+$0x460];
	v8, _, _ =	vpop (xrf1)  }
0xf7: {  	v12 =	vmin.f32 v5, v4;
	(xrf1) =	vsort.ascd.msk.f32 $0xffff, v2, v6;
	v6 =	vld [tilespmem:s13+$0x440];
	v4, _, _ =	vpop (xrf1)  }
0xf8: {  	v11 =	vmin.f32 v8, v10;
	v9 =	vld [tilespmem:s11+$0x420];
	(xrf1) =	vsort.ascd.msk.f32 $0xffff, v12, v5;
	v5, _, _ =	vpop (xrf1)  }
0xf9: {  	v10 =	vld [tilespmem:s10+$0x400];
	(xrf1) =	vsort.ascd.msk.f32 $0xffff, v11, v8;
	v8 =	vmin.f32 v4, v3;
	v2, _, _ =	vpop (xrf1);
	v1 =	vadd.f32 v5, v1  }
0xfa: {  	s17 =	sadd.s32 $0x80, s17;
	v11 =	vld [tilespmem:s9+$0x60];
	v3, _, _ =	vpop (xrf1);
	(xrf1) =	vsort.ascd.msk.f32 $0xffff, v8, v4  }
0xfb: {  	s19 =	sand.u32 $0x380, s17;
	s16 =	sand.u32 $0x7800, s18;
	v8 =	vld [tilespmem:s12+$0x40];
	v4, _, _ =	vpop (xrf1);
	(xrf1) =	vsort.dscd.msk.f32 $0xffff, v7, v7  }
0xfc: {  	s16 =	sor.u32 s19, s16;
	v12 =	vld [tilespmem:s14+$0x20];
	v5, _, _ =	vpop (xrf1);
	(xrf1) =	vsort.dscd.msk.f32 $0xffff, v6, v6  }
0xfd: {  	v13 =	vld [tilespmem:s16+$0x0];
	v6, _, _ =	vpop (xrf1);
	(xrf1) =	vsort.dscd.msk.f32 $0xffff, v9, v9  }
0xfe: {  	v7, _, _ =	vpop (xrf1);
	(xrf1) =	vsort.dscd.msk.f32 $0xffff, v10, v10  }
.Ltmp0:
0xff: {  	v9, _, _ =	vpop (xrf1);
	(xrf1) =	vsort.dscd.msk.f32 $0xffff, v11, v11;
	(pc) =	sbr.rel @p0 .LBB2_2-.Ltmp0, $4  }
0x100: {  	v10, _, _ =	vpop (xrf1);
	(xrf1) =	vsort.dscd.msk.f32 $0xffff, v8, v8  }
0x101: {  	v11, _, _ =	vpop (xrf1);
	(xrf1) =	vsort.dscd.msk.f32 $0xffff, v12, v12  }
0x102: {  	(xrf1) =	vsort.dscd.msk.f32 $0xffff, v13, v13;
	v10 =	vmin.f32 v11, v10;
	v8, _, _ =	vpop (xrf1)  }
0x103: {  	s18 =	sadd.s32 $0x100, s18;
	(xrf1) =	vsort.ascd.msk.f32 $0xffff, v10, v11;
	v10 =	vmin.f32 v8, v9;
	v9, _, _ =	vpop (xrf1)  }
0x104: {  	v27, _, _ =	vpop (xrf1)  }
0x105: {  	v28, _, _ =	vpop (xrf1)  }
0x106: {  	(xrf1) =	vsort.ascd.msk.f32 $0xffff, v10, v8;
	v7 =	vmin.f32 v9, v7;
	v29, _, _ =	vpop (xrf1)  }
0x107: {  	(xrf1) =	vsort.ascd.msk.f32 $0xffff, v7, v9;
	v6 =	vmin.f32 v27, v6;
	v32, _, _ =	vpop (xrf1)  }
0x108: {  	v30 =	vld [tilespmem:s15+$0x470];
	(xrf1) =	vsort.ascd.msk.f32 $0xffff, v6, v27;
	v5 =	vmin.f32 v28, v5;
	v3 =	vmin.f32 v32, v3  }
0x109: {  	v31 =	vld [tilespmem:s13+$0x450];
	(xrf1) =	vsort.ascd.msk.f32 $0xffff, v5, v28;
	v4 =	vmin.f32 v29, v4  }
0x10a: {  	v33 =	vld [tilespmem:s11+$0x430];
	(xrf1) =	vsort.ascd.msk.f32 $0xffff, v4, v29;
	v34, _, _ =	vpop (xrf1)  }
0x10b: {  	v35 =	vld [tilespmem:s10+$0x410];
	(xrf1) =	vsort.ascd.msk.f32 $0xffff, v3, v32;
	v2 =	vmin.f32 v34, v2;
	v3, _, _ =	vpop (xrf1)  }
0x10c: {  	v36 =	vld [tilespmem:s9+$0x70];
	(xrf1) =	vsort.ascd.msk.f32 $0xffff, v2, v34;
	v37, _, _ =	vpop (xrf1)  }
0x10d: {  	v2 =	vld [tilespmem:s12+$0x50];
	(xrf1) =	vsort.dscd.msk.f32 $0xffff, v30, v30;
	v38, _, _ =	vpop (xrf1)  }
0x10e: {  	v39 =	vld [tilespmem:s14+$0x30];
	v11, _, _ =	vpop (xrf1);
	(xrf1) =	vsort.dscd.msk.f32 $0xffff, v31, v31  }
0x10f: {  	v40 =	vld [tilespmem:s16+$0x10];
	v12, _, _ =	vpop (xrf1);
	(xrf1) =	vsort.dscd.msk.f32 $0xffff, v33, v33  }
0x110: {  	v41, _, _ =	vpop (xrf1);
	(xrf1) =	vsort.dscd.msk.f32 $0xffff, v35, v35  }
0x111: {  	v42, _, _ =	vpop (xrf1);
	(xrf1) =	vsort.dscd.msk.f32 $0xffff, v36, v36  }
0x112: {  	v43, _, _ =	vpop (xrf1);
	(xrf1) =	vsort.dscd.msk.f32 $0xffff, v2, v2  }
0x113: {  	v2, _, _ =	vpop (xrf1);
	(xrf1) =	vsort.dscd.msk.f32 $0xffff, v39, v39  }
0x114: {  	v7 =	vmin.f32 v43, $3.000000010e+38;
	(xrf1) =	vsort.dscd.msk.f32 $0xffff, v40, v40;
	v44, _, _ =	vpop (xrf1)  }
0x115: {  	v6 =	vmin.f32 v2, v42;
	(xrf1) =	vsort.ascd.msk.f32 $0xffff, v7, v0;
	v45, _, _ =	vpop (xrf1)  }
0x116: {  	v46, _, _ =	vpop (xrf1);
	(xrf1) =	vsort.ascd.msk.f32 $0xffff, v6, v2;
	v2 =	vmin.f32 v44, v41  }
0x117: {  	v47, _, _ =	vpop (xrf1);
	(xrf1) =	vsort.ascd.msk.f32 $0xffff, v2, v44;
	v2 =	vmin.f32 v45, v12  }
0x118: {  	v48, _, _ =	vpop (xrf1);
	(xrf1) =	vsort.ascd.msk.f32 $0xffff, v2, v45;
	v2 =	vmin.f32 v46, v11;
	_ =	sdelay $0x1  }
0x119: {  	v49 =	vld [tilespmem:s13+$0x460];
	v50, _, _ =	vpop (xrf1)  }
0x11a: {  	v51 =	vld [tilespmem:s11+$0x440];
	v4 =	vmin.f32 v47, v38;
	(xrf1) =	vsort.ascd.msk.f32 $0xffff, v2, v46;
	v3 =	vmin.f32 v50, v3;
	v2, _, _ =	vpop (xrf1)  }
0x11b: {  	v52 =	vld [tilespmem:s10+$0x420];
	v53 =	vmin.f32 v48, v37;
	(xrf1) =	vsort.ascd.msk.f32 $0xffff, v4, v47;
	v54, _, _ =	vpop (xrf1)  }
0x11c: {  	v55 =	vld [tilespmem:s9+$0x400];
	(xrf1) =	vsort.ascd.msk.f32 $0xffff, v53, v48;
	v56, _, _ =	vpop (xrf1)  }
0x11d: {  	v57 =	vld [tilespmem:s12+$0x60];
	(xrf1) =	vsort.ascd.msk.f32 $0xffff, v3, v50;
	v3, _, _ =	vpop (xrf1)  }
0x11e: {  	v58 =	vld [tilespmem:s14+$0x40];
	(xrf1) =	vsort.dscd.msk.f32 $0xffff, v49, v49;
	v59, _, _ =	vpop (xrf1)  }
0x11f: {  	v60 =	vld [tilespmem:s16+$0x20];
	(xrf1) =	vsort.dscd.msk.f32 $0xffff, v51, v51;
	v61, _, _ =	vpop (xrf1)  }
0x120: {  	(xrf1) =	vsort.dscd.msk.f32 $0xffff, v52, v52;
	v62, _, _ =	vpop (xrf1)  }
0x121: {  	(xrf1) =	vsort.dscd.msk.f32 $0xffff, v55, v55;
	v63, _, _ =	vpop (xrf1)  }
0x122: {  	(xrf1) =	vsort.dscd.msk.f32 $0xffff, v57, v57;
	v15, _, _ =	vpop (xrf1)  }
0x123: {  	(xrf1) =	vsort.dscd.msk.f32 $0xffff, v58, v58;
	v16, _, _ =	vpop (xrf1)  }
0x124: {  	(xrf1) =	vsort.dscd.msk.f32 $0xffff, v60, v60;
	v5 =	vmin.f32 v16, v15  }
0x125: {  	v17, _, _ =	vpop (xrf1);
	(xrf1) =	vsort.ascd.msk.f32 $0xffff, v5, v16  }
0x126: {  	v18 =	vmin.f32 v17, v63;
	v19, _, _ =	vpop (xrf1)  }
0x127: {  	(xrf1) =	vsort.ascd.msk.f32 $0xffff, v18, v17;
	v20 =	vmin.f32 v19, v62;
	v21, _, _ =	vpop (xrf1)  }
0x128: {  	(xrf1) =	vsort.ascd.msk.f32 $0xffff, v20, v19;
	v22 =	vmin.f32 v21, v61;
	v23, _, _ =	vpop (xrf1)  }
0x129: {  	v26 =	vld [tilespmem:s13+$0x470];
	(xrf1) =	vsort.ascd.msk.f32 $0xffff, v22, v21;
	v24 =	vmin.f32 v23, v59;
	v25, _, _ =	vpop (xrf1)  }
0x12a: {  	v27 =	vld [tilespmem:s11+$0x450];
	(xrf1) =	vsort.ascd.msk.f32 $0xffff, v24, v23;
	v3 =	vmin.f32 v25, v3;
	v28, _, _ =	vpop (xrf1)  }
0x12b: {  	v29 =	vld [tilespmem:s10+$0x430];
	(xrf1) =	vsort.ascd.msk.f32 $0xffff, v3, v25;
	v3 =	vmin.f32 v28, v56;
	v30, _, _ =	vpop (xrf1)  }
0x12c: {  	v31 =	vld [tilespmem:s9+$0x410];
	(xrf1) =	vsort.ascd.msk.f32 $0xffff, v3, v28;
	v32, _, _ =	vpop (xrf1);
	v3 =	vmin.f32 v30, v54  }
0x12d: {  	v33 =	vld [tilespmem:s12+$0x70];
	v34, _, _ =	vpop (xrf1);
	(xrf1) =	vsort.ascd.msk.f32 $0xffff, v3, v30  }
0x12e: {  	v3 =	vld [tilespmem:s14+$0x50];
	v35, _, _ =	vpop (xrf1);
	(xrf1) =	vsort.dscd.msk.f32 $0xffff, v26, v26  }
0x12f: {  	v36 =	vld [tilespmem:s16+$0x30];
	v37, _, _ =	vpop (xrf1);
	(xrf1) =	vsort.dscd.msk.f32 $0xffff, v27, v27  }
0x130: {  	v38, _, _ =	vpop (xrf1);
	(xrf1) =	vsort.dscd.msk.f32 $0xffff, v29, v29  }
0x131: {  	v39, _, _ =	vpop (xrf1);
	(xrf1) =	vsort.dscd.msk.f32 $0xffff, v31, v31  }
0x132: {  	v40, _, _ =	vpop (xrf1);
	(xrf1) =	vsort.dscd.msk.f32 $0xffff, v33, v33  }
0x133: {  	(xrf1) =	vsort.dscd.msk.f32 $0xffff, v3, v3;
	v3, _, _ =	vpop (xrf1)  }
0x134: {  	(xrf1) =	vsort.dscd.msk.f32 $0xffff, v36, v36;
	v41 =	vmin.f32 v3, v40  }
0x135: {  	v42, _, _ =	vpop (xrf1);
	(xrf1) =	vsort.ascd.msk.f32 $0xffff, v41, v3  }
0x136: {  	v3, _, _ =	vpop (xrf1);
	v44 =	vmin.f32 v42, v39  }
0x137: {  	v43, _, _ =	vpop (xrf1);
	(xrf1) =	vsort.ascd.msk.f32 $0xffff, v44, v42;
	v5 =	vmin.f32 v3, v38  }
0x138: {  	v45, _, _ =	vpop (xrf1);
	(xrf1) =	vsort.ascd.msk.f32 $0xffff, v5, v3;
	v3 =	vmin.f32 v43, v37  }
0x139: {  	v46, _, _ =	vpop (xrf1)  }
0x13a: {  	v47 =	vld [tilespmem:s11+$0x460];
	v48, _, _ =	vpop (xrf1)  }
0x13b: {  	v49 =	vld [tilespmem:s10+$0x440];
	(xrf1) =	vsort.ascd.msk.f32 $0xffff, v3, v43;
	v4 =	vmin.f32 v45, v35;
	v3, _, _ =	vpop (xrf1)  }
0x13c: {  	v50 =	vld [tilespmem:s9+$0x420];
	v51 =	vmin.f32 v46, v34;
	(xrf1) =	vsort.ascd.msk.f32 $0xffff, v4, v45;
	v52, _, _ =	vpop (xrf1)  }
0x13d: {  	v53 =	vld [tilespmem:s12+$0x400];
	v54 =	vmin.f32 v48, v32;
	(xrf1) =	vsort.ascd.msk.f32 $0xffff, v51, v46;
	v55, _, _ =	vpop (xrf1)  }
0x13e: {  	v56 =	vld [tilespmem:s14+$0x60];
	(xrf1) =	vsort.ascd.msk.f32 $0xffff, v54, v48;
	v57, _, _ =	vpop (xrf1)  }
0x13f: {  	v58 =	vld [tilespmem:s16+$0x40];
	(xrf1) =	vsort.dscd.msk.f32 $0xffff, v47, v47;
	v59, _, _ =	vpop (xrf1)  }
0x140: {  	(xrf1) =	vsort.dscd.msk.f32 $0xffff, v49, v49;
	v60, _, _ =	vpop (xrf1)  }
0x141: {  	(xrf1) =	vsort.dscd.msk.f32 $0xffff, v50, v50;
	v61, _, _ =	vpop (xrf1)  }
0x142: {  	(xrf1) =	vsort.dscd.msk.f32 $0xffff, v53, v53;
	v62, _, _ =	vpop (xrf1)  }
0x143: {  	(xrf1) =	vsort.dscd.msk.f32 $0xffff, v56, v56;
	v63, _, _ =	vpop (xrf1)  }
0x144: {  	(xrf1) =	vsort.dscd.msk.f32 $0xffff, v58, v58;
	v13 =	vmin.f32 v63, v62  }
0x145: {  	(xrf1) =	vsort.ascd.msk.f32 $0xffff, v13, v63;
	_ =	sdelay $0x1  }
0x146: {  	v14, _, _ =	vpop (xrf1)  }
0x147: {  	v15 =	vmin.f32 v14, v61;
	v16, _, _ =	vpop (xrf1)  }
0x148: {  	(xrf1) =	vsort.ascd.msk.f32 $0xffff, v15, v14;
	v6 =	vmin.f32 v16, v60;
	v17, _, _ =	vpop (xrf1)  }
0x149: {  	v19 =	vld [tilespmem:s11+$0x470];
	(xrf1) =	vsort.ascd.msk.f32 $0xffff, v6, v16;
	v5 =	vmin.f32 v17, v59;
	v18, _, _ =	vpop (xrf1)  }
0x14a: {  	v20 =	vld [tilespmem:s10+$0x450];
	(xrf1) =	vsort.ascd.msk.f32 $0xffff, v5, v17;
	v4 =	vmin.f32 v18, v57;
	v21, _, _ =	vpop (xrf1)  }
0x14b: {  	v22 =	vld [tilespmem:s9+$0x430];
	(xrf1) =	vsort.ascd.msk.f32 $0xffff, v4, v18;
	v23 =	vmin.f32 v21, v55;
	v24, _, _ =	vpop (xrf1)  }
0x14c: {  	v25 =	vld [tilespmem:s12+$0x410];
	(xrf1) =	vsort.ascd.msk.f32 $0xffff, v23, v21;
	v26, _, _ =	vpop (xrf1);
	v27 =	vmin.f32 v24, v52  }
0x14d: {  	v28 =	vld [tilespmem:s14+$0x70];
	v29, _, _ =	vpop (xrf1);
	(xrf1) =	vsort.ascd.msk.f32 $0xffff, v27, v24  }
0x14e: {  	v30 =	vld [tilespmem:s16+$0x50];
	v31, _, _ =	vpop (xrf1);
	(xrf1) =	vsort.dscd.msk.f32 $0xffff, v19, v19  }
0x14f: {  	v32, _, _ =	vpop (xrf1);
	(xrf1) =	vsort.dscd.msk.f32 $0xffff, v20, v20  }
0x150: {  	v33, _, _ =	vpop (xrf1);
	(xrf1) =	vsort.dscd.msk.f32 $0xffff, v22, v22  }
0x151: {  	v34, _, _ =	vpop (xrf1);
	(xrf1) =	vsort.dscd.msk.f32 $0xffff, v25, v25  }
0x152: {  	(xrf1) =	vsort.dscd.msk.f32 $0xffff, v28, v28;
	v35, _, _ =	vpop (xrf1)  }
0x153: {  	(xrf1) =	vsort.dscd.msk.f32 $0xffff, v30, v30;
	v36 =	vmin.f32 v35, v34  }
0x154: {  	(xrf1) =	vsort.ascd.msk.f32 $0xffff, v36, v35;
	_ =	sdelay $0x1  }
0x155: {  	v37, _, _ =	vpop (xrf1)  }
0x156: {  	v38, _, _ =	vpop (xrf1)  }
0x157: {  	v39, _, _ =	vpop (xrf1)  }
0x158: {  	v5 =	vmin.f32 v37, v33;
	v40, _, _ =	vpop (xrf1)  }
0x159: {  	v42 =	vld [tilespmem:s10+$0x460];
	(xrf1) =	vsort.ascd.msk.f32 $0xffff, v5, v37;
	v41 =	vmin.f32 v38, v32;
	v43, _, _ =	vpop (xrf1)  }
0x15a: {  	v44 =	vld [tilespmem:s9+$0x440];
	v6 =	vmin.f32 v39, v31;
	(xrf1) =	vsort.ascd.msk.f32 $0xffff, v41, v38;
	v4, _, _ =	vpop (xrf1)  }
0x15b: {  	v13 =	vld [tilespmem:s12+$0x420];
	v45 =	vmin.f32 v40, v29;
	(xrf1) =	vsort.ascd.msk.f32 $0xffff, v6, v39;
	v46, _, _ =	vpop (xrf1)  }
0x15c: {  	v47 =	vld [tilespmem:s14+$0x400];
	v48 =	vmin.f32 v43, v26;
	(xrf1) =	vsort.ascd.msk.f32 $0xffff, v45, v40;
	v49, _, _ =	vpop (xrf1)  }
0x15d: {  	v50 =	vld [tilespmem:s16+$0x60];
	(xrf1) =	vsort.ascd.msk.f32 $0xffff, v48, v43;
	v51, _, _ =	vpop (xrf1)  }
0x15e: {  	(xrf1) =	vsort.dscd.msk.f32 $0xffff, v42, v42;
	v52, _, _ =	vpop (xrf1)  }
0x15f: {  	(xrf1) =	vsort.dscd.msk.f32 $0xffff, v44, v44;
	v53, _, _ =	vpop (xrf1)  }
0x160: {  	(xrf1) =	vsort.dscd.msk.f32 $0xffff, v13, v13;
	v54, _, _ =	vpop (xrf1)  }
0x161: {  	(xrf1) =	vsort.dscd.msk.f32 $0xffff, v47, v47;
	v55, _, _ =	vpop (xrf1)  }
0x162: {  	(xrf1) =	vsort.dscd.msk.f32 $0xffff, v50, v50;
	v9 =	vmin.f32 v55, v54  }
0x163: {  	(xrf1) =	vsort.ascd.msk.f32 $0xffff, v9, v55;
	_ =	sdelay $0x3  }
0x164: {  	v56, _, _ =	vpop (xrf1)  }
0x165: {  	v7 =	vmin.f32 v56, v53;
	v57, _, _ =	vpop (xrf1)  }
0x166: {  	v59 =	vld [tilespmem:s10+$0x470];
	(xrf1) =	vsort.ascd.msk.f32 $0xffff, v7, v56;
	v5 =	vmin.f32 v57, v52;
	v58, _, _ =	vpop (xrf1)  }
0x167: {  	v61 =	vld [tilespmem:s9+$0x450];
	(xrf1) =	vsort.ascd.msk.f32 $0xffff, v5, v57;
	v60 =	vmin.f32 v58, v51;
	v62, _, _ =	vpop (xrf1)  }
0x168: {  	v63 =	vld [tilespmem:s12+$0x430];
	(xrf1) =	vsort.ascd.msk.f32 $0xffff, v60, v58;
	v15 =	vmin.f32 v62, v49;
	v16, _, _ =	vpop (xrf1)  }
0x169: {  	v17 =	vld [tilespmem:s14+$0x410];
	(xrf1) =	vsort.ascd.msk.f32 $0xffff, v15, v62;
	v18, _, _ =	vpop (xrf1);
	v19 =	vmin.f32 v16, v46  }
0x16a: {  	v20 =	vld [tilespmem:s16+$0x70];
	(xrf1) =	vsort.ascd.msk.f32 $0xffff, v19, v16;
	v21, _, _ =	vpop (xrf1)  }
0x16b: {  	(xrf1) =	vsort.dscd.msk.f32 $0xffff, v59, v59;
	v22, _, _ =	vpop (xrf1)  }
0x16c: {  	(xrf1) =	vsort.dscd.msk.f32 $0xffff, v61, v61;
	v23, _, _ =	vpop (xrf1)  }
0x16d: {  	(xrf1) =	vsort.dscd.msk.f32 $0xffff, v63, v63;
	v24, _, _ =	vpop (xrf1)  }
0x16e: {  	(xrf1) =	vsort.dscd.msk.f32 $0xffff, v17, v17;
	v25, _, _ =	vpop (xrf1)  }
0x16f: {  	(xrf1) =	vsort.dscd.msk.f32 $0xffff, v20, v20;
	v6 =	vmin.f32 v25, v24  }
0x170: {  	(xrf1) =	vsort.ascd.msk.f32 $0xffff, v6, v25;
	_ =	sdelay $0x3  }
0x171: {  	v26, _, _ =	vpop (xrf1)  }
0x172: {  	v27, _, _ =	vpop (xrf1)  }
0x173: {  	v28, _, _ =	vpop (xrf1)  }
0x174: {  	v29 =	vld [tilespmem:s9+$0x460];
	v7 =	vmin.f32 v26, v23;
	v30, _, _ =	vpop (xrf1)  }
0x175: {  	v32 =	vld [tilespmem:s12+$0x440];
	(xrf1) =	vsort.ascd.msk.f32 $0xffff, v7, v26;
	v31 =	vmin.f32 v27, v22;
	v5, _, _ =	vpop (xrf1)  }
0x176: {  	v14 =	vld [tilespmem:s14+$0x420];
	v33 =	vmin.f32 v28, v21;
	(xrf1) =	vsort.ascd.msk.f32 $0xffff, v31, v27;
	v34, _, _ =	vpop (xrf1)  }
0x177: {  	v35 =	vld [tilespmem:s16+$0x400];
	v36 =	vmin.f32 v30, v18;
	(xrf1) =	vsort.ascd.msk.f32 $0xffff, v33, v28;
	v37, _, _ =	vpop (xrf1)  }
0x178: {  	(xrf1) =	vsort.ascd.msk.f32 $0xffff, v36, v30;
	v38, _, _ =	vpop (xrf1)  }
0x179: {  	(xrf1) =	vsort.dscd.msk.f32 $0xffff, v29, v29;
	v39, _, _ =	vpop (xrf1)  }
0x17a: {  	(xrf1) =	vsort.dscd.msk.f32 $0xffff, v32, v32;
	v40, _, _ =	vpop (xrf1)  }
0x17b: {  	(xrf1) =	vsort.dscd.msk.f32 $0xffff, v14, v14;
	v41, _, _ =	vpop (xrf1)  }
0x17c: {  	(xrf1) =	vsort.dscd.msk.f32 $0xffff, v35, v35;
	v7 =	vmin.f32 v41, v40  }
0x17d: {  	(xrf1) =	vsort.ascd.msk.f32 $0xffff, v7, v41;
	_ =	sdelay $0x5  }
0x17e: {  	v42, _, _ =	vpop (xrf1)  }
0x17f: {  	v44 =	vld [tilespmem:s9+$0x470];
	v10 =	vmin.f32 v42, v39;
	v43, _, _ =	vpop (xrf1)  }
0x180: {  	v45 =	vld [tilespmem:s12+$0x450];
	(xrf1) =	vsort.ascd.msk.f32 $0xffff, v10, v42;
	v6 =	vmin.f32 v43, v38;
	v46, _, _ =	vpop (xrf1)  }
0x181: {  	v47 =	vld [tilespmem:s14+$0x430];
	(xrf1) =	vsort.ascd.msk.f32 $0xffff, v6, v43;
	v48 =	vmin.f32 v46, v37;
	v49, _, _ =	vpop (xrf1)  }
0x182: {  	v50 =	vld [tilespmem:s16+$0x410];
	(xrf1) =	vsort.ascd.msk.f32 $0xffff, v48, v46;
	v51, _, _ =	vpop (xrf1);
	v8 =	vmin.f32 v49, v34  }
0x183: {  	v52, _, _ =	vpop (xrf1);
	(xrf1) =	vsort.ascd.msk.f32 $0xffff, v8, v49  }
0x184: {  	v53, _, _ =	vpop (xrf1);
	(xrf1) =	vsort.dscd.msk.f32 $0xffff, v44, v44  }
0x185: {  	v54, _, _ =	vpop (xrf1);
	(xrf1) =	vsort.dscd.msk.f32 $0xffff, v45, v45  }
0x186: {  	(xrf1) =	vsort.dscd.msk.f32 $0xffff, v47, v47;
	v55, _, _ =	vpop (xrf1)  }
0x187: {  	(xrf1) =	vsort.dscd.msk.f32 $0xffff, v50, v50;
	v9 =	vmin.f32 v55, v54  }
0x188: {  	(xrf1) =	vsort.ascd.msk.f32 $0xffff, v9, v55;
	_ =	sdelay $0x5  }
0x189: {  	v56, _, _ =	vpop (xrf1)  }
0x18a: {  	v57, _, _ =	vpop (xrf1)  }
0x18b: {  	v58 =	vld [tilespmem:s12+$0x460];
	v59, _, _ =	vpop (xrf1)  }
0x18c: {  	v60 =	vld [tilespmem:s14+$0x440];
	v8 =	vmin.f32 v56, v53;
	v14, _, _ =	vpop (xrf1)  }
0x18d: {  	v61 =	vld [tilespmem:s16+$0x420];
	(xrf1) =	vsort.ascd.msk.f32 $0xffff, v8, v56;
	v62 =	vmin.f32 v57, v52;
	v63, _, _ =	vpop (xrf1)  }
0x18e: {  	(xrf1) =	vsort.ascd.msk.f32 $0xffff, v62, v57;
	v6 =	vmin.f32 v59, v51;
	v16, _, _ =	vpop (xrf1)  }
0x18f: {  	(xrf1) =	vsort.ascd.msk.f32 $0xffff, v6, v59;
	v17, _, _ =	vpop (xrf1)  }
0x190: {  	(xrf1) =	vsort.dscd.msk.f32 $0xffff, v58, v58;
	v18, _, _ =	vpop (xrf1)  }
0x191: {  	(xrf1) =	vsort.dscd.msk.f32 $0xffff, v60, v60;
	v19, _, _ =	vpop (xrf1)  }
0x192: {  	(xrf1) =	vsort.dscd.msk.f32 $0xffff, v61, v61;
	v20 =	vmin.f32 v19, v18  }
0x193: {  	(xrf1) =	vsort.ascd.msk.f32 $0xffff, v20, v19;
	_ =	sdelay $0x7  }
0x194: {  	v22 =	vld [tilespmem:s12+$0x470];
	v21, _, _ =	vpop (xrf1)  }
0x195: {  	v23 =	vld [tilespmem:s14+$0x450];
	v6 =	vmin.f32 v21, v17;
	v24, _, _ =	vpop (xrf1)  }
0x196: {  	v25 =	vld [tilespmem:s16+$0x430];
	(xrf1) =	vsort.ascd.msk.f32 $0xffff, v6, v21;
	v26 =	vmin.f32 v24, v16;
	v27, _, _ =	vpop (xrf1)  }
0x197: {  	(xrf1) =	vsort.ascd.msk.f32 $0xffff, v26, v24;
	v28, _, _ =	vpop (xrf1);
	v29 =	vmin.f32 v27, v63  }
0x198: {  	v30, _, _ =	vpop (xrf1);
	(xrf1) =	vsort.ascd.msk.f32 $0xffff, v29, v27  }
0x199: {  	v31, _, _ =	vpop (xrf1);
	(xrf1) =	vsort.dscd.msk.f32 $0xffff, v22, v22  }
0x19a: {  	(xrf1) =	vsort.dscd.msk.f32 $0xffff, v23, v23;
	v32, _, _ =	vpop (xrf1)  }
0x19b: {  	(xrf1) =	vsort.dscd.msk.f32 $0xffff, v25, v25;
	v7 =	vmin.f32 v32, v31  }
0x19c: {  	(xrf1) =	vsort.ascd.msk.f32 $0xffff, v7, v32;
	_ =	sdelay $0x7  }
0x19d: {  	v33, _, _ =	vpop (xrf1)  }
0x19e: {  	v34 =	vld [tilespmem:s14+$0x460];
	v35, _, _ =	vpop (xrf1)  }
0x19f: {  	v36 =	vld [tilespmem:s16+$0x440];
	v37, _, _ =	vpop (xrf1)  }
0x1a0: {  	v10 =	vmin.f32 v33, v30;
	v38, _, _ =	vpop (xrf1)  }
0x1a1: {  	(xrf1) =	vsort.ascd.msk.f32 $0xffff, v10, v33;
	v6 =	vmin.f32 v35, v28;
	v39, _, _ =	vpop (xrf1)  }
0x1a2: {  	(xrf1) =	vsort.ascd.msk.f32 $0xffff, v6, v35;
	v40, _, _ =	vpop (xrf1)  }
0x1a3: {  	(xrf1) =	vsort.dscd.msk.f32 $0xffff, v34, v34;
	v41, _, _ =	vpop (xrf1)  }
0x1a4: {  	(xrf1) =	vsort.dscd.msk.f32 $0xffff, v36, v36;
	v6 =	vmin.f32 v41, v40  }
0x1a5: {  	(xrf1) =	vsort.ascd.msk.f32 $0xffff, v6, v41;
	_ =	sdelay $0x8  }
0x1a6: {  	v42 =	vld [tilespmem:s14+$0x470]  }
0x1a7: {  	v43 =	vld [tilespmem:s16+$0x450];
	v44, _, _ =	vpop (xrf1)  }
0x1a8: {  	v7 =	vmin.f32 v44, v39;
	v45, _, _ =	vpop (xrf1)  }
0x1a9: {  	(xrf1) =	vsort.ascd.msk.f32 $0xffff, v7, v44;
	v46, _, _ =	vpop (xrf1);
	v47 =	vmin.f32 v45, v38  }
0x1aa: {  	v11, _, _ =	vpop (xrf1);
	(xrf1) =	vsort.ascd.msk.f32 $0xffff, v47, v45  }
0x1ab: {  	(xrf1) =	vsort.dscd.msk.f32 $0xffff, v42, v42;
	v48, _, _ =	vpop (xrf1)  }
0x1ac: {  	(xrf1) =	vsort.dscd.msk.f32 $0xffff, v43, v43;
	v49 =	vmin.f32 v48, v11  }
0x1ad: {  	(xrf1) =	vsort.ascd.msk.f32 $0xffff, v49, v48;
	_ =	sdelay $0x9  }
0x1ae: {  	v50 =	vld [tilespmem:s16+$0x460];
	v51, _, _ =	vpop (xrf1)  }
0x1af: {  	v9, _, _ =	vpop (xrf1)  }
0x1b0: {  	v52, _, _ =	vpop (xrf1)  }
0x1b1: {  	v7 =	vmin.f32 v51, v46;
	v53, _, _ =	vpop (xrf1)  }
0x1b2: {  	(xrf1) =	vsort.ascd.msk.f32 $0xffff, v7, v51;
	v54, _, _ =	vpop (xrf1)  }
0x1b3: {  	(xrf1) =	vsort.dscd.msk.f32 $0xffff, v50, v50;
	v55 =	vmin.f32 v54, v53  }
0x1b4: {  	(xrf1) =	vsort.ascd.msk.f32 $0xffff, v55, v54;
	_ =	sdelay $0x9  }
0x1b5: {  	v56 =	vld [tilespmem:s16+$0x470];
	_ =	sdelay $0x1  }
0x1b6: {  	v57, _, _ =	vpop (xrf1)  }
0x1b7: {  	v58, _, _ =	vpop (xrf1);
	v10 =	vmin.f32 v57, v52  }
0x1b8: {  	(xrf1) =	vsort.ascd.msk.f32 $0xffff, v10, v57;
	v59, _, _ =	vpop (xrf1)  }
0x1b9: {  	(xrf1) =	vsort.dscd.msk.f32 $0xffff, v56, v56;
	v60 =	vmin.f32 v59, v58  }
0x1ba: {  	(xrf1) =	vsort.ascd.msk.f32 $0xffff, v60, v59;
	_ =	sdelay $0xb  }
0x1bb: {  	v61, _, _ =	vpop (xrf1)  }
0x1bc: {  	v62, _, _ =	vpop (xrf1)  }
0x1bd: {  	v63, _, _ =	vpop (xrf1)  }
0x1be: {  	v1 =	vadd.f32 v2, v1;
	v2 =	vmin.f32 v63, v62  }
0x1bf: {  	(xrf1) =	vsort.ascd.msk.f32 $0xffff, v2, v63  }
0x1c0: {  	v1 =	vadd.f32 v3, v1;
	_ =	sdelay $0x1  }
0x1c1: {  	v1 =	vadd.f32 v4, v1;
	_ =	sdelay $0x1  }
0x1c2: {  	v1 =	vadd.f32 v5, v1;
	_ =	sdelay $0x1  }
0x1c3: {  	v1 =	vadd.f32 v14, v1;
	_ =	sdelay $0x1  }
0x1c4: {  	v1 =	vadd.f32 v37, v1;
	_ =	sdelay $0x1  }
0x1c5: {  	v1 =	vadd.f32 v9, v1;
	_ =	sdelay $0x1  }
0x1c6: {  	v1 =	vadd.f32 v61, v1  }
0x1c7: {  	v2, _, _ =	vpop (xrf1)  }
0x1c8: {  	s8 =	sadd.s32 $0x1, s8;
	v1 =	vadd.f32 v2, v1  }
0x1c9: {  	p0 =	sne.s32 s8, s5  }
.Ltmp1:
0x1ca: {  	[tilespmem:$0x8000] =	vst v1;
	(pc) =	sbr.rel @p0 .LBB2_1-.Ltmp1, $4  }
0x1cb: {  	[hbm4b:s4+s2] =	stream.linear.scatter [tilespmem:s7], [sflag:$0x1], $0x80, $0x38;
	[tilespmem:$0x8080] =	vst v63  }
0x1cc: {  	_ =	swait.ge [sflag:s6], $0x80  }
0x1cd: {  	[sflag:s6] =	ssyncset.done $0x0  }
0x1ce: {  	[sflag:s6] =	ssyncadd.s32 $0xFFFFFF80  }
0x1cf: {  	_ =	sfence.sel $0x180000  }
0x1d0: {  	[bflag:$0x0] =	sbarrier.arrive $0xFFFF  }
0x1d1: {  	p0 =	sne.s32 s1, $0x0;
	_ =	strace $0x90000047  }
0x1d2: {  	s0 =	sadd.s32 @!p0 $0x100000, s0;
	[bflag:$0x2] =	sbarrier.arrive $0xFFFF  }
0x1d3: {  	[sflag:s0] =	ssyncadd.tile.s32 @!p0 $0x1;
	_ =	shalt  }
.Lfunc_end2:
_tile_overlayer_lowered:
.L_overlay_start_2:
0x1d4: {  	(tag) =	ssettag $0x2  }
0x1d5: {  	s0 =	rddreg [dreg:$0x0];
	s2 =	stileid.u32  }
0x1d6: {  	s1 =	rddreg [dreg:$0x1];
	p0 =	sne.s32 s2, $0x0  }
0x1d7: {  	s3 =	rddreg [dreg:$0x2];
	[bflag:$0x3] =	sbarrier.arrive $0xFFFF;
	s2 =	simm.s32 @!p0 $0x1C01  }
0x1d8: {  	[timem:s3], [sflag:s2] =	dma.local @!p0 [hbm:s0], s1  }
0x1d9: {  	s0 =	simm.s32 @!p0 $0x1  }
0x1da: {  	_ =	swait.ge @!p0 [sflag:s0], s1  }
0x1db: {  	s1 =	ssub.s32 @!p0 $0x0, s1;
	[sflag:s0] =	ssyncset.done @!p0 $0x0  }
0x1dc: {  	[sflag:s0] =	ssyncadd.s32 @!p0 s1  }
0x1dd: {  	[bflag:$0x3] =	sbarrier.arrive $0xFFFF  }
0x1de: {  	_ =	shalt  }

</sc_bundles>
